<compile_context>
chip_gen: v7x
topology: tpu7x:2x2x1
jax: 0.10.2.dev20260603
libtpu: 0.0.44.dev20260713+nightly
codegen_flags: <defaults>
</compile_context>

<pallas_src>
import functools

import jax
import jax.numpy as jnp
from jax import lax
from jax.experimental import pallas as pl
from jax.experimental.pallas import tpu as pltpu
from jax.experimental.pallas import tpu_sc as plsc

D_MODEL = 128
CHUNK = 100
BLK_CHUNKS = 4
BLK = BLK_CHUNKS * CHUNK
SB_BLOCKS = 4
SB_CHUNKS = SB_BLOCKS * BLK_CHUNKS


@functools.lru_cache(maxsize=None)
def _make_sc_gather(B):
    info = plsc.get_sparse_core_info()
    nc, ns = info.num_cores, info.num_subcores
    nw = nc * ns
    rows_per_w = B // nw
    n_chunks = B // CHUNK
    w_sbs = rows_per_w // (SB_BLOCKS * BLK)
    assert rows_per_w == w_sbs * SB_BLOCKS * BLK and w_sbs % 2 == 0
    mesh = plsc.VectorSubcoreMesh(core_axis_name="c", subcore_axis_name="s")

    @functools.partial(
        pl.kernel,
        out_type=jax.ShapeDtypeStruct((B, D_MODEL), jnp.float32),
        mesh=mesh,
        scratch_types=[
            pltpu.VMEM((SB_CHUNKS, CHUNK), jnp.int32),
            pltpu.VMEM((SB_CHUNKS, CHUNK), jnp.int32),
            pltpu.VMEM_SHARED((367, D_MODEL), jnp.float32),
            pltpu.VMEM((BLK, D_MODEL), jnp.float32),
            pltpu.VMEM((BLK, D_MODEL), jnp.float32),
            pltpu.SemaphoreType.DMA,
            pltpu.SemaphoreType.DMA,
            pltpu.SemaphoreType.DMA,
            pltpu.SemaphoreType.DMA,
            pltpu.SemaphoreType.DMA,
            pltpu.SemaphoreType.DMA,
        ],
    )
    def sc_gather(pos_hbm, pe_hbm, out_hbm, idx_a, idx_b, pe_v, rows_a, rows_b,
                  sg_a, sg_b, ss_a, ss_b, si_a, si_b):
        @pl.when(lax.axis_index("s") == 0)
        def _():
            pltpu.sync_copy(pe_hbm, pe_v)
        plsc.subcore_barrier()

        wid = lax.axis_index("s") * nc + lax.axis_index("c")
        base_chunk = wid * (rows_per_w // CHUNK)
        base_row = wid * rows_per_w
        bufs = (rows_a, rows_b)
        sgs = (sg_a, sg_b)
        sss = (ss_a, ss_b)
        idxs = (idx_a, idx_b)
        sis = (si_a, si_b)

        def prefetch_idx(sb, p):
            off = jnp.minimum(base_chunk + sb * SB_CHUNKS, n_chunks - SB_CHUNKS)
            pltpu.async_copy(pos_hbm.at[pl.ds(off, SB_CHUNKS)], idxs[p], sis[p])

        def wait_idx(p):
            pltpu.make_async_copy(
                pos_hbm.at[pl.ds(0, SB_CHUNKS)], idxs[p], sis[p]
            ).wait()

        def wait_gathers(i):
            pltpu.make_async_copy(out_hbm.at[pl.ds(0, BLK)], bufs[i], sgs[i]).wait()

        def wait_scatter(i):
            pltpu.make_async_copy(out_hbm.at[pl.ds(0, BLK)], bufs[i], sss[i]).wait()

        def flush(i, g):
            wait_gathers(i)
            pltpu.async_copy(
                bufs[i], out_hbm.at[pl.ds(base_row + g * BLK, BLK)], sss[i]
            )

        def do_sb(sb, p):
            wait_idx(p)
            for blkk in range(SB_BLOCKS):
                cur = blkk % 2
                g = sb * SB_BLOCKS + blkk
                if blkk >= 2:
                    wait_scatter(cur)
                else:
                    @pl.when(sb > 0)
                    def _():
                        wait_scatter(cur)
                for j in range(BLK_CHUNKS):
                    pltpu.async_copy(
                        pe_v.at[idxs[p].at[blkk * BLK_CHUNKS + j]],
                        bufs[cur].at[pl.ds(j * CHUNK, CHUNK)],
                        sgs[cur],
                    )
                if blkk >= 1:
                    flush(1 - cur, g - 1)
                else:
                    @pl.when(sb > 0)
                    def _():
                        flush(1 - cur, g - 1)
                if blkk == 0:
                    prefetch_idx(sb + 1, 1 - p)

        prefetch_idx(0, 0)

        def pair(pp, carry):
            do_sb(2 * pp, 0)
            do_sb(2 * pp + 1, 1)
            return carry

        lax.fori_loop(0, w_sbs // 2, pair, 0)
        last = (SB_BLOCKS - 1) % 2
        flush(last, w_sbs * SB_BLOCKS - 1)
        wait_idx(0)
        wait_scatter(1 - last)
        wait_scatter(last)

    return sc_gather


def kernel(positions, pe):
    b, t = positions.shape
    pos2d = positions.reshape(-1, CHUNK).astype(jnp.int32)
    out = _make_sc_gather(b * t)(pos2d, pe)
    return out.reshape(b, t, D_MODEL)

# --- scband reference (transcript-rebuilt; emitter-appended) ---
"""Pipeline reference for scband-sinusoidal-positional-encoding-31679678775485 (READ-ONLY COPY).

The authoritative reference and input builder live on the scoring server;
editing this copy changes nothing except your own understanding.
"""

import jax, jax.numpy as jnp
import numpy as np
import math

D_MODEL = 128
MAX_LEN = 367

def _make_pe():
    position = np.arange(MAX_LEN, dtype=np.float64)[:, None]
    div_term = np.exp(np.arange(0, D_MODEL, 2, dtype=np.float64) * (-math.log(10000.0) / D_MODEL))
    pe = np.zeros((MAX_LEN, D_MODEL), dtype=np.float32)
    pe[:, 0::2] = np.sin(position * div_term).astype(np.float32)
    pe[:, 1::2] = np.cos(position * div_term).astype(np.float32)
    return jnp.asarray(pe)

def setup_inputs(seed: int = 0) -> dict:
    key = jax.random.key(seed)
    positions = jax.random.randint(key, (16384, 200), 0, MAX_LEN)
    pe = _make_pe()
    return {"positions": positions, "pe": pe}

def reference(positions, pe):
    pos_indices = jnp.clip(positions, 0, pe.shape[0] - 1).astype(jnp.int32)
    return jnp.take(pe, pos_indices, axis=0)

if __name__ == "__main__":
    import jax
    _d = setup_inputs()
    print(jax.jit(kernel)(*tuple(_d.values())))

</pallas_src>

<mosaic_0001>
#map = affine_map<(d0, d1) -> (0, 0)>
module attributes {stable_mosaic.version = 14 : i64} {
  func.func @sc_gather(%arg0: i32, %arg1: i32, %arg2: memref<32768x100xi32, #tpu.memory_space<hbm>>, %arg3: memref<367x128xf32, #tpu.memory_space<hbm>>, %arg4: memref<3276800x128xf32, #tpu.memory_space<hbm>>, %arg5: memref<16x100xi32, #tpu.memory_space<vmem>>, %arg6: memref<16x100xi32, #tpu.memory_space<vmem>>, %arg7: memref<367x128xf32, #tpu.memory_space<vmem_shared>>, %arg8: memref<400x128xf32, #tpu.memory_space<vmem>>, %arg9: memref<400x128xf32, #tpu.memory_space<vmem>>, %arg10: memref<!tpu.dma_semaphore, #tpu.memory_space<semaphore_mem>>, %arg11: memref<!tpu.dma_semaphore, #tpu.memory_space<semaphore_mem>>, %arg12: memref<!tpu.dma_semaphore, #tpu.memory_space<semaphore_mem>>, %arg13: memref<!tpu.dma_semaphore, #tpu.memory_space<semaphore_mem>>, %arg14: memref<!tpu.dma_semaphore, #tpu.memory_space<semaphore_mem>>, %arg15: memref<!tpu.dma_semaphore, #tpu.memory_space<semaphore_mem>>) attributes {dimension_semantics = [#tpu.dimension_semantics<core_parallel>, #tpu.dimension_semantics<subcore_parallel>], iteration_bounds = array<i64: 2, 16>, scalar_prefetch = 0 : i64, scratch_operands = 11 : i64, tpu.core_type = #tpu.core_type<sc_vector_subcore>, window_params = [{transform_indices = #map}, {transform_indices = #map}, {transform_indices = #map}]} {
    %eq3A = arith.constant 0 : i32
    %eq3A_0 = arith.cmpi eq, %arg1, %eq3A : i32
    %convert_element_type3A = arith.extui %eq3A_0 : i1 to i32
    %cond3A = arith.constant 0 : i32
    %cond3A_1 = arith.cmpi ne, %convert_element_type3A, %cond3A : i32
    scf.if %cond3A_1 {
      "tpu.region"() ({
        %run_scoped3A = tpu.sem_alloc : memref<!tpu.dma_semaphore, #tpu.memory_space<semaphore_mem>>
        tpu.enqueue_dma source(%arg3 : memref<367x128xf32, #tpu.memory_space<hbm>>) target(%arg7 : memref<367x128xf32, #tpu.memory_space<vmem_shared>>) target_semaphore(%run_scoped3A : memref<!tpu.dma_semaphore, #tpu.memory_space<semaphore_mem>>)
        tpu.wait_dma2 semaphore(%run_scoped3A : memref<!tpu.dma_semaphore, #tpu.memory_space<semaphore_mem>>) src(%arg3 : memref<367x128xf32, #tpu.memory_space<hbm>>) dst(%arg7 : memref<367x128xf32, #tpu.memory_space<vmem_shared>>)
        tpu.yield
      }) : () -> ()
    } else {
    }
    %barrier3A = arith.constant 0 : index
    tpu.barrier barrier_id(%barrier3A)
    %mul3A = arith.constant 2 : i32
    %mul3A_2 = arith.muli %arg1, %mul3A : i32
    %add3A = arith.addi %mul3A_2, %arg0 : i32
    %mul3A_3 = arith.constant 1024 : i32
    %mul3A_4 = arith.muli %add3A, %mul3A_3 : i32
    %mul3A_5 = arith.constant 102400 : i32
    %mul3A_6 = arith.muli %add3A, %mul3A_5 : i32
    %add3A_7 = arith.constant 0 : i32
    %add3A_8 = arith.addi %mul3A_4, %add3A_7 : i32
    %min3A = arith.constant 32752 : i32
    %min3A_9 = arith.minsi %add3A_8, %min3A : i32
    %dma_start3A = arith.constant 0 : i32
    %dma_start3A_10 = tpu.memref_slice %arg2[%min3A_9, %dma_start3A] : memref<32768x100xi32, #tpu.memory_space<hbm>> -> memref<16x100xi32, #tpu.memory_space<hbm>>
    %dma_start3A_11 = arith.constant 0 : i32
    %dma_start3A_12 = tpu.memref_slice %arg2[%min3A_9, %dma_start3A_11] : memref<32768x100xi32, #tpu.memory_space<hbm>> -> memref<16x100xi32, #tpu.memory_space<hbm>>
    tpu.enqueue_dma source(%dma_start3A_12 : memref<16x100xi32, #tpu.memory_space<hbm>>) target(%arg5 : memref<16x100xi32, #tpu.memory_space<vmem>>) target_semaphore(%arg14 : memref<!tpu.dma_semaphore, #tpu.memory_space<semaphore_mem>>)
    %scan3A = arith.constant 0 : i32
    %scan3A_13 = arith.constant 0 : i32
    %scan3A_14 = arith.constant 32 : i32
    %scan3A_15 = arith.addi %scan3A_13, %scan3A_14 : i32
    %scan3A_16 = arith.constant 1 : i32
    scf.for %scan3A_47 = %scan3A_13 to %scan3A_15 step %scan3A_16  : i32 {
      %mul3A_48 = arith.constant 2 : i32
      %mul3A_49 = arith.muli %mul3A_48, %scan3A_47 : i32
      %dma_wait3A_50 = arith.constant 0 : i32
      %dma_wait3A_51 = arith.constant 0 : i32
      %dma_wait3A_52 = tpu.memref_slice %arg2[%dma_wait3A_50, %dma_wait3A_51] : memref<32768x100xi32, #tpu.memory_space<hbm>> -> memref<16x100xi32, #tpu.memory_space<hbm>>
      %dma_wait3A_53 = arith.constant 0 : i32
      %dma_wait3A_54 = arith.constant 0 : i32
      %dma_wait3A_55 = tpu.memref_slice %arg2[%dma_wait3A_53, %dma_wait3A_54] : memref<32768x100xi32, #tpu.memory_space<hbm>> -> memref<16x100xi32, #tpu.memory_space<hbm>>
      tpu.wait_dma2 semaphore(%arg14 : memref<!tpu.dma_semaphore, #tpu.memory_space<semaphore_mem>>) src(%dma_wait3A_55 : memref<16x100xi32, #tpu.memory_space<hbm>>) dst(%arg5 : memref<16x100xi32, #tpu.memory_space<vmem>>)
      %mul3A_56 = arith.constant 4 : i32
      %mul3A_57 = arith.muli %mul3A_49, %mul3A_56 : i32
      %add3A_58 = arith.constant 0 : i32
      %add3A_59 = arith.addi %mul3A_57, %add3A_58 : i32
      %gt3A = arith.constant 0 : i32
      %gt3A_60 = arith.cmpi sgt, %mul3A_49, %gt3A : i32
      %convert_element_type3A_61 = arith.extui %gt3A_60 : i1 to i32
      %cond3A_62 = arith.constant 0 : i32
      %cond3A_63 = arith.cmpi ne, %convert_element_type3A_61, %cond3A_62 : i32
      scf.if %cond3A_63 {
        %dma_wait3A_582 = arith.constant 0 : i32
        %dma_wait3A_583 = arith.constant 0 : i32
        %dma_wait3A_584 = tpu.memref_slice %arg4[%dma_wait3A_582, %dma_wait3A_583] : memref<3276800x128xf32, #tpu.memory_space<hbm>> -> memref<400x128xf32, #tpu.memory_space<hbm>>
        %dma_wait3A_585 = arith.constant 0 : i32
        %dma_wait3A_586 = arith.constant 0 : i32
        %dma_wait3A_587 = tpu.memref_slice %arg4[%dma_wait3A_585, %dma_wait3A_586] : memref<3276800x128xf32, #tpu.memory_space<hbm>> -> memref<400x128xf32, #tpu.memory_space<hbm>>
        tpu.wait_dma2 semaphore(%arg12 : memref<!tpu.dma_semaphore, #tpu.memory_space<semaphore_mem>>) src(%dma_wait3A_587 : memref<400x128xf32, #tpu.memory_space<hbm>>) dst(%arg8 : memref<400x128xf32, #tpu.memory_space<vmem>>)
      } else {
      }
      %dma_start3A_64 = arith.constant 0 : i32
      %dma_start3A_65 = arith.constant 0 : i32
      %dma_start3A_66 = arith.constant 0 : i32
      %dma_start3A_67 = tpu.memref_slice %arg8[%dma_start3A_65, %dma_start3A_66] : memref<400x128xf32, #tpu.memory_space<vmem>> -> memref<100x128xf32, #tpu.memory_space<vmem>>
      %dma_start3A_68 = arith.constant 0 : i32
      %dma_start3A_69 = tpu.memref_slice %arg5[%dma_start3A_64, %dma_start3A_68] : memref<16x100xi32, #tpu.memory_space<vmem>> -> memref<1x100xi32, #tpu.memory_space<vmem>>
      %dma_start3A_70 = tpu.memref_squeeze %dma_start3A_69 : memref<1x100xi32, #tpu.memory_space<vmem>> -> memref<100xi32, #tpu.memory_space<vmem>>
      %dma_start3A_71 = arith.constant 0 : i32
      %dma_start3A_72 = arith.constant 0 : i32
      %dma_start3A_73 = tpu.memref_slice %arg7[%dma_start3A_71, %dma_start3A_72] : memref<367x128xf32, #tpu.memory_space<vmem_shared>> -> memref<367x128xf32, #tpu.memory_space<vmem_shared>>
      tpu.enqueue_indirect_dma source(%dma_start3A_73 : memref<367x128xf32, #tpu.memory_space<vmem_shared>>) target(%dma_start3A_67 : memref<100x128xf32, #tpu.memory_space<vmem>>) offsets(%dma_start3A_70 : memref<100xi32, #tpu.memory_space<vmem>>) semaphore(%arg10 : memref<!tpu.dma_semaphore, #tpu.memory_space<semaphore_mem>>)
      %dma_start3A_74 = arith.constant 1 : i32
      %dma_start3A_75 = arith.constant 100 : i32
      %dma_start3A_76 = arith.constant 0 : i32
      %dma_start3A_77 = tpu.memref_slice %arg8[%dma_start3A_75, %dma_start3A_76] : memref<400x128xf32, #tpu.memory_space<vmem>> -> memref<100x128xf32, #tpu.memory_space<vmem>>
      %dma_start3A_78 = arith.constant 0 : i32
      %dma_start3A_79 = tpu.memref_slice %arg5[%dma_start3A_74, %dma_start3A_78] : memref<16x100xi32, #tpu.memory_space<vmem>> -> memref<1x100xi32, #tpu.memory_space<vmem>>
      %dma_start3A_80 = tpu.memref_squeeze %dma_start3A_79 : memref<1x100xi32, #tpu.memory_space<vmem>> -> memref<100xi32, #tpu.memory_space<vmem>>
      %dma_start3A_81 = arith.constant 0 : i32
      %dma_start3A_82 = arith.constant 0 : i32
      %dma_start3A_83 = tpu.memref_slice %arg7[%dma_start3A_81, %dma_start3A_82] : memref<367x128xf32, #tpu.memory_space<vmem_shared>> -> memref<367x128xf32, #tpu.memory_space<vmem_shared>>
      tpu.enqueue_indirect_dma source(%dma_start3A_83 : memref<367x128xf32, #tpu.memory_space<vmem_shared>>) target(%dma_start3A_77 : memref<100x128xf32, #tpu.memory_space<vmem>>) offsets(%dma_start3A_80 : memref<100xi32, #tpu.memory_space<vmem>>) semaphore(%arg10 : memref<!tpu.dma_semaphore, #tpu.memory_space<semaphore_mem>>)
      %dma_start3A_84 = arith.constant 2 : i32
      %dma_start3A_85 = arith.constant 200 : i32
      %dma_start3A_86 = arith.constant 0 : i32
      %dma_start3A_87 = tpu.memref_slice %arg8[%dma_start3A_85, %dma_start3A_86] : memref<400x128xf32, #tpu.memory_space<vmem>> -> memref<100x128xf32, #tpu.memory_space<vmem>>
      %dma_start3A_88 = arith.constant 0 : i32
      %dma_start3A_89 = tpu.memref_slice %arg5[%dma_start3A_84, %dma_start3A_88] : memref<16x100xi32, #tpu.memory_space<vmem>> -> memref<1x100xi32, #tpu.memory_space<vmem>>
      %dma_start3A_90 = tpu.memref_squeeze %dma_start3A_89 : memref<1x100xi32, #tpu.memory_space<vmem>> -> memref<100xi32, #tpu.memory_space<vmem>>
      %dma_start3A_91 = arith.constant 0 : i32
      %dma_start3A_92 = arith.constant 0 : i32
      %dma_start3A_93 = tpu.memref_slice %arg7[%dma_start3A_91, %dma_start3A_92] : memref<367x128xf32, #tpu.memory_space<vmem_shared>> -> memref<367x128xf32, #tpu.memory_space<vmem_shared>>
      tpu.enqueue_indirect_dma source(%dma_start3A_93 : memref<367x128xf32, #tpu.memory_space<vmem_shared>>) target(%dma_start3A_87 : memref<100x128xf32, #tpu.memory_space<vmem>>) offsets(%dma_start3A_90 : memref<100xi32, #tpu.memory_space<vmem>>) semaphore(%arg10 : memref<!tpu.dma_semaphore, #tpu.memory_space<semaphore_mem>>)
      %dma_start3A_94 = arith.constant 3 : i32
      %dma_start3A_95 = arith.constant 300 : i32
      %dma_start3A_96 = arith.constant 0 : i32
      %dma_start3A_97 = tpu.memref_slice %arg8[%dma_start3A_95, %dma_start3A_96] : memref<400x128xf32, #tpu.memory_space<vmem>> -> memref<100x128xf32, #tpu.memory_space<vmem>>
      %dma_start3A_98 = arith.constant 0 : i32
      %dma_start3A_99 = tpu.memref_slice %arg5[%dma_start3A_94, %dma_start3A_98] : memref<16x100xi32, #tpu.memory_space<vmem>> -> memref<1x100xi32, #tpu.memory_space<vmem>>
      %dma_start3A_100 = tpu.memref_squeeze %dma_start3A_99 : memref<1x100xi32, #tpu.memory_space<vmem>> -> memref<100xi32, #tpu.memory_space<vmem>>
      %dma_start3A_101 = arith.constant 0 : i32
      %dma_start3A_102 = arith.constant 0 : i32
      %dma_start3A_103 = tpu.memref_slice %arg7[%dma_start3A_101, %dma_start3A_102] : memref<367x128xf32, #tpu.memory_space<vmem_shared>> -> memref<367x128xf32, #tpu.memory_space<vmem_shared>>
      tpu.enqueue_indirect_dma source(%dma_start3A_103 : memref<367x128xf32, #tpu.memory_space<vmem_shared>>) target(%dma_start3A_97 : memref<100x128xf32, #tpu.memory_space<vmem>>) offsets(%dma_start3A_100 : memref<100xi32, #tpu.memory_space<vmem>>) semaphore(%arg10 : memref<!tpu.dma_semaphore, #tpu.memory_space<semaphore_mem>>)
      %gt3A_104 = arith.constant 0 : i32
      %gt3A_105 = arith.cmpi sgt, %mul3A_49, %gt3A_104 : i32
      %convert_element_type3A_106 = arith.extui %gt3A_105 : i1 to i32
      %cond3A_107 = arith.constant 0 : i32
      %cond3A_108 = arith.cmpi ne, %convert_element_type3A_106, %cond3A_107 : i32
      scf.if %cond3A_108 {
        %sub3A_582 = arith.constant 1 : i32
        %sub3A_583 = arith.subi %add3A_59, %sub3A_582 : i32
        %dma_wait3A_584 = arith.constant 0 : i32
        %dma_wait3A_585 = arith.constant 0 : i32
        %dma_wait3A_586 = tpu.memref_slice %arg4[%dma_wait3A_584, %dma_wait3A_585] : memref<3276800x128xf32, #tpu.memory_space<hbm>> -> memref<400x128xf32, #tpu.memory_space<hbm>>
        %dma_wait3A_587 = arith.constant 0 : i32
        %dma_wait3A_588 = arith.constant 0 : i32
        %dma_wait3A_589 = tpu.memref_slice %arg4[%dma_wait3A_587, %dma_wait3A_588] : memref<3276800x128xf32, #tpu.memory_space<hbm>> -> memref<400x128xf32, #tpu.memory_space<hbm>>
        tpu.wait_dma2 semaphore(%arg11 : memref<!tpu.dma_semaphore, #tpu.memory_space<semaphore_mem>>) src(%dma_wait3A_589 : memref<400x128xf32, #tpu.memory_space<hbm>>) dst(%arg9 : memref<400x128xf32, #tpu.memory_space<vmem>>)
        %mul3A_590 = arith.constant 400 : i32
        %mul3A_591 = arith.muli %sub3A_583, %mul3A_590 : i32
        %add3A_592 = arith.addi %mul3A_6, %mul3A_591 : i32
        %dma_start3A_593 = arith.constant 0 : i32
        %dma_start3A_594 = tpu.memref_slice %arg4[%add3A_592, %dma_start3A_593] : memref<3276800x128xf32, #tpu.memory_space<hbm>> -> memref<400x128xf32, #tpu.memory_space<hbm>>
        %dma_start3A_595 = arith.constant 0 : i32
        %dma_start3A_596 = tpu.memref_slice %arg4[%add3A_592, %dma_start3A_595] : memref<3276800x128xf32, #tpu.memory_space<hbm>> -> memref<400x128xf32, #tpu.memory_space<hbm>>
        tpu.enqueue_dma source(%arg9 : memref<400x128xf32, #tpu.memory_space<vmem>>) target(%dma_start3A_596 : memref<400x128xf32, #tpu.memory_space<hbm>>) target_semaphore(%arg13 : memref<!tpu.dma_semaphore, #tpu.memory_space<semaphore_mem>>)
      } else {
      }
      %add3A_109 = arith.constant 1 : i32
      %add3A_110 = arith.addi %mul3A_49, %add3A_109 : i32
      %mul3A_111 = arith.constant 16 : i32
      %mul3A_112 = arith.muli %add3A_110, %mul3A_111 : i32
      %add3A_113 = arith.addi %mul3A_4, %mul3A_112 : i32
      %min3A_114 = arith.constant 32752 : i32
      %min3A_115 = arith.minsi %add3A_113, %min3A_114 : i32
      %dma_start3A_116 = arith.constant 0 : i32
      %dma_start3A_117 = tpu.memref_slice %arg2[%min3A_115, %dma_start3A_116] : memref<32768x100xi32, #tpu.memory_space<hbm>> -> memref<16x100xi32, #tpu.memory_space<hbm>>
      %dma_start3A_118 = arith.constant 0 : i32
      %dma_start3A_119 = tpu.memref_slice %arg2[%min3A_115, %dma_start3A_118] : memref<32768x100xi32, #tpu.memory_space<hbm>> -> memref<16x100xi32, #tpu.memory_space<hbm>>
      tpu.enqueue_dma source(%dma_start3A_119 : memref<16x100xi32, #tpu.memory_space<hbm>>) target(%arg6 : memref<16x100xi32, #tpu.memory_space<vmem>>) target_semaphore(%arg15 : memref<!tpu.dma_semaphore, #tpu.memory_space<semaphore_mem>>)
      %mul3A_120 = arith.constant 4 : i32
      %mul3A_121 = arith.muli %mul3A_49, %mul3A_120 : i32
      %add3A_122 = arith.constant 1 : i32
      %add3A_123 = arith.addi %mul3A_121, %add3A_122 : i32
      %gt3A_124 = arith.constant 0 : i32
      %gt3A_125 = arith.cmpi sgt, %mul3A_49, %gt3A_124 : i32
      %convert_element_type3A_126 = arith.extui %gt3A_125 : i1 to i32
      %cond3A_127 = arith.constant 0 : i32
      %cond3A_128 = arith.cmpi ne, %convert_element_type3A_126, %cond3A_127 : i32
      scf.if %cond3A_128 {
        %dma_wait3A_582 = arith.constant 0 : i32
        %dma_wait3A_583 = arith.constant 0 : i32
        %dma_wait3A_584 = tpu.memref_slice %arg4[%dma_wait3A_582, %dma_wait3A_583] : memref<3276800x128xf32, #tpu.memory_space<hbm>> -> memref<400x128xf32, #tpu.memory_space<hbm>>
        %dma_wait3A_585 = arith.constant 0 : i32
        %dma_wait3A_586 = arith.constant 0 : i32
        %dma_wait3A_587 = tpu.memref_slice %arg4[%dma_wait3A_585, %dma_wait3A_586] : memref<3276800x128xf32, #tpu.memory_space<hbm>> -> memref<400x128xf32, #tpu.memory_space<hbm>>
        tpu.wait_dma2 semaphore(%arg13 : memref<!tpu.dma_semaphore, #tpu.memory_space<semaphore_mem>>) src(%dma_wait3A_587 : memref<400x128xf32, #tpu.memory_space<hbm>>) dst(%arg9 : memref<400x128xf32, #tpu.memory_space<vmem>>)
      } else {
      }
      %dma_start3A_129 = arith.constant 4 : i32
      %dma_start3A_130 = arith.constant 0 : i32
      %dma_start3A_131 = arith.constant 0 : i32
      %dma_start3A_132 = tpu.memref_slice %arg9[%dma_start3A_130, %dma_start3A_131] : memref<400x128xf32, #tpu.memory_space<vmem>> -> memref<100x128xf32, #tpu.memory_space<vmem>>
      %dma_start3A_133 = arith.constant 0 : i32
      %dma_start3A_134 = tpu.memref_slice %arg5[%dma_start3A_129, %dma_start3A_133] : memref<16x100xi32, #tpu.memory_space<vmem>> -> memref<1x100xi32, #tpu.memory_space<vmem>>
      %dma_start3A_135 = tpu.memref_squeeze %dma_start3A_134 : memref<1x100xi32, #tpu.memory_space<vmem>> -> memref<100xi32, #tpu.memory_space<vmem>>
      %dma_start3A_136 = arith.constant 0 : i32
      %dma_start3A_137 = arith.constant 0 : i32
      %dma_start3A_138 = tpu.memref_slice %arg7[%dma_start3A_136, %dma_start3A_137] : memref<367x128xf32, #tpu.memory_space<vmem_shared>> -> memref<367x128xf32, #tpu.memory_space<vmem_shared>>
      tpu.enqueue_indirect_dma source(%dma_start3A_138 : memref<367x128xf32, #tpu.memory_space<vmem_shared>>) target(%dma_start3A_132 : memref<100x128xf32, #tpu.memory_space<vmem>>) offsets(%dma_start3A_135 : memref<100xi32, #tpu.memory_space<vmem>>) semaphore(%arg11 : memref<!tpu.dma_semaphore, #tpu.memory_space<semaphore_mem>>)
      %dma_start3A_139 = arith.constant 5 : i32
      %dma_start3A_140 = arith.constant 100 : i32
      %dma_start3A_141 = arith.constant 0 : i32
      %dma_start3A_142 = tpu.memref_slice %arg9[%dma_start3A_140, %dma_start3A_141] : memref<400x128xf32, #tpu.memory_space<vmem>> -> memref<100x128xf32, #tpu.memory_space<vmem>>
      %dma_start3A_143 = arith.constant 0 : i32
      %dma_start3A_144 = tpu.memref_slice %arg5[%dma_start3A_139, %dma_start3A_143] : memref<16x100xi32, #tpu.memory_space<vmem>> -> memref<1x100xi32, #tpu.memory_space<vmem>>
      %dma_start3A_145 = tpu.memref_squeeze %dma_start3A_144 : memref<1x100xi32, #tpu.memory_space<vmem>> -> memref<100xi32, #tpu.memory_space<vmem>>
      %dma_start3A_146 = arith.constant 0 : i32
      %dma_start3A_147 = arith.constant 0 : i32
      %dma_start3A_148 = tpu.memref_slice %arg7[%dma_start3A_146, %dma_start3A_147] : memref<367x128xf32, #tpu.memory_space<vmem_shared>> -> memref<367x128xf32, #tpu.memory_space<vmem_shared>>
      tpu.enqueue_indirect_dma source(%dma_start3A_148 : memref<367x128xf32, #tpu.memory_space<vmem_shared>>) target(%dma_start3A_142 : memref<100x128xf32, #tpu.memory_space<vmem>>) offsets(%dma_start3A_145 : memref<100xi32, #tpu.memory_space<vmem>>) semaphore(%arg11 : memref<!tpu.dma_semaphore, #tpu.memory_space<semaphore_mem>>)
      %dma_start3A_149 = arith.constant 6 : i32
      %dma_start3A_150 = arith.constant 200 : i32
      %dma_start3A_151 = arith.constant 0 : i32
      %dma_start3A_152 = tpu.memref_slice %arg9[%dma_start3A_150, %dma_start3A_151] : memref<400x128xf32, #tpu.memory_space<vmem>> -> memref<100x128xf32, #tpu.memory_space<vmem>>
      %dma_start3A_153 = arith.constant 0 : i32
      %dma_start3A_154 = tpu.memref_slice %arg5[%dma_start3A_149, %dma_start3A_153] : memref<16x100xi32, #tpu.memory_space<vmem>> -> memref<1x100xi32, #tpu.memory_space<vmem>>
      %dma_start3A_155 = tpu.memref_squeeze %dma_start3A_154 : memref<1x100xi32, #tpu.memory_space<vmem>> -> memref<100xi32, #tpu.memory_space<vmem>>
      %dma_start3A_156 = arith.constant 0 : i32
      %dma_start3A_157 = arith.constant 0 : i32
      %dma_start3A_158 = tpu.memref_slice %arg7[%dma_start3A_156, %dma_start3A_157] : memref<367x128xf32, #tpu.memory_space<vmem_shared>> -> memref<367x128xf32, #tpu.memory_space<vmem_shared>>
      tpu.enqueue_indirect_dma source(%dma_start3A_158 : memref<367x128xf32, #tpu.memory_space<vmem_shared>>) target(%dma_start3A_152 : memref<100x128xf32, #tpu.memory_space<vmem>>) offsets(%dma_start3A_155 : memref<100xi32, #tpu.memory_space<vmem>>) semaphore(%arg11 : memref<!tpu.dma_semaphore, #tpu.memory_space<semaphore_mem>>)
      %dma_start3A_159 = arith.constant 7 : i32
      %dma_start3A_160 = arith.constant 300 : i32
      %dma_start3A_161 = arith.constant 0 : i32
      %dma_start3A_162 = tpu.memref_slice %arg9[%dma_start3A_160, %dma_start3A_161] : memref<400x128xf32, #tpu.memory_space<vmem>> -> memref<100x128xf32, #tpu.memory_space<vmem>>
      %dma_start3A_163 = arith.constant 0 : i32
      %dma_start3A_164 = tpu.memref_slice %arg5[%dma_start3A_159, %dma_start3A_163] : memref<16x100xi32, #tpu.memory_space<vmem>> -> memref<1x100xi32, #tpu.memory_space<vmem>>
      %dma_start3A_165 = tpu.memref_squeeze %dma_start3A_164 : memref<1x100xi32, #tpu.memory_space<vmem>> -> memref<100xi32, #tpu.memory_space<vmem>>
      %dma_start3A_166 = arith.constant 0 : i32
      %dma_start3A_167 = arith.constant 0 : i32
      %dma_start3A_168 = tpu.memref_slice %arg7[%dma_start3A_166, %dma_start3A_167] : memref<367x128xf32, #tpu.memory_space<vmem_shared>> -> memref<367x128xf32, #tpu.memory_space<vmem_shared>>
      tpu.enqueue_indirect_dma source(%dma_start3A_168 : memref<367x128xf32, #tpu.memory_space<vmem_shared>>) target(%dma_start3A_162 : memref<100x128xf32, #tpu.memory_space<vmem>>) offsets(%dma_start3A_165 : memref<100xi32, #tpu.memory_space<vmem>>) semaphore(%arg11 : memref<!tpu.dma_semaphore, #tpu.memory_space<semaphore_mem>>)
      %sub3A = arith.constant 1 : i32
      %sub3A_169 = arith.subi %add3A_123, %sub3A : i32
      %dma_wait3A_170 = arith.constant 0 : i32
      %dma_wait3A_171 = arith.constant 0 : i32
      %dma_wait3A_172 = tpu.memref_slice %arg4[%dma_wait3A_170, %dma_wait3A_171] : memref<3276800x128xf32, #tpu.memory_space<hbm>> -> memref<400x128xf32, #tpu.memory_space<hbm>>
      %dma_wait3A_173 = arith.constant 0 : i32
      %dma_wait3A_174 = arith.constant 0 : i32
      %dma_wait3A_175 = tpu.memref_slice %arg4[%dma_wait3A_173, %dma_wait3A_174] : memref<3276800x128xf32, #tpu.memory_space<hbm>> -> memref<400x128xf32, #tpu.memory_space<hbm>>
      tpu.wait_dma2 semaphore(%arg10 : memref<!tpu.dma_semaphore, #tpu.memory_space<semaphore_mem>>) src(%dma_wait3A_175 : memref<400x128xf32, #tpu.memory_space<hbm>>) dst(%arg8 : memref<400x128xf32, #tpu.memory_space<vmem>>)
      %mul3A_176 = arith.constant 400 : i32
      %mul3A_177 = arith.muli %sub3A_169, %mul3A_176 : i32
      %add3A_178 = arith.addi %mul3A_6, %mul3A_177 : i32
      %dma_start3A_179 = arith.constant 0 : i32
      %dma_start3A_180 = tpu.memref_slice %arg4[%add3A_178, %dma_start3A_179] : memref<3276800x128xf32, #tpu.memory_space<hbm>> -> memref<400x128xf32, #tpu.memory_space<hbm>>
      %dma_start3A_181 = arith.constant 0 : i32
      %dma_start3A_182 = tpu.memref_slice %arg4[%add3A_178, %dma_start3A_181] : memref<3276800x128xf32, #tpu.memory_space<hbm>> -> memref<400x128xf32, #tpu.memory_space<hbm>>
      tpu.enqueue_dma source(%arg8 : memref<400x128xf32, #tpu.memory_space<vmem>>) target(%dma_start3A_182 : memref<400x128xf32, #tpu.memory_space<hbm>>) target_semaphore(%arg12 : memref<!tpu.dma_semaphore, #tpu.memory_space<semaphore_mem>>)
      %mul3A_183 = arith.constant 4 : i32
      %mul3A_184 = arith.muli %mul3A_49, %mul3A_183 : i32
      %add3A_185 = arith.constant 2 : i32
      %add3A_186 = arith.addi %mul3A_184, %add3A_185 : i32
      %dma_wait3A_187 = arith.constant 0 : i32
      %dma_wait3A_188 = arith.constant 0 : i32
      %dma_wait3A_189 = tpu.memref_slice %arg4[%dma_wait3A_187, %dma_wait3A_188] : memref<3276800x128xf32, #tpu.memory_space<hbm>> -> memref<400x128xf32, #tpu.memory_space<hbm>>
      %dma_wait3A_190 = arith.constant 0 : i32
      %dma_wait3A_191 = arith.constant 0 : i32
      %dma_wait3A_192 = tpu.memref_slice %arg4[%dma_wait3A_190, %dma_wait3A_191] : memref<3276800x128xf32, #tpu.memory_space<hbm>> -> memref<400x128xf32, #tpu.memory_space<hbm>>
      tpu.wait_dma2 semaphore(%arg12 : memref<!tpu.dma_semaphore, #tpu.memory_space<semaphore_mem>>) src(%dma_wait3A_192 : memref<400x128xf32, #tpu.memory_space<hbm>>) dst(%arg8 : memref<400x128xf32, #tpu.memory_space<vmem>>)
      %dma_start3A_193 = arith.constant 8 : i32
      %dma_start3A_194 = arith.constant 0 : i32
      %dma_start3A_195 = arith.constant 0 : i32
      %dma_start3A_196 = tpu.memref_slice %arg8[%dma_start3A_194, %dma_start3A_195] : memref<400x128xf32, #tpu.memory_space<vmem>> -> memref<100x128xf32, #tpu.memory_space<vmem>>
      %dma_start3A_197 = arith.constant 0 : i32
      %dma_start3A_198 = tpu.memref_slice %arg5[%dma_start3A_193, %dma_start3A_197] : memref<16x100xi32, #tpu.memory_space<vmem>> -> memref<1x100xi32, #tpu.memory_space<vmem>>
      %dma_start3A_199 = tpu.memref_squeeze %dma_start3A_198 : memref<1x100xi32, #tpu.memory_space<vmem>> -> memref<100xi32, #tpu.memory_space<vmem>>
      %dma_start3A_200 = arith.constant 0 : i32
      %dma_start3A_201 = arith.constant 0 : i32
      %dma_start3A_202 = tpu.memref_slice %arg7[%dma_start3A_200, %dma_start3A_201] : memref<367x128xf32, #tpu.memory_space<vmem_shared>> -> memref<367x128xf32, #tpu.memory_space<vmem_shared>>
      tpu.enqueue_indirect_dma source(%dma_start3A_202 : memref<367x128xf32, #tpu.memory_space<vmem_shared>>) target(%dma_start3A_196 : memref<100x128xf32, #tpu.memory_space<vmem>>) offsets(%dma_start3A_199 : memref<100xi32, #tpu.memory_space<vmem>>) semaphore(%arg10 : memref<!tpu.dma_semaphore, #tpu.memory_space<semaphore_mem>>)
      %dma_start3A_203 = arith.constant 9 : i32
      %dma_start3A_204 = arith.constant 100 : i32
      %dma_start3A_205 = arith.constant 0 : i32
      %dma_start3A_206 = tpu.memref_slice %arg8[%dma_start3A_204, %dma_start3A_205] : memref<400x128xf32, #tpu.memory_space<vmem>> -> memref<100x128xf32, #tpu.memory_space<vmem>>
      %dma_start3A_207 = arith.constant 0 : i32
      %dma_start3A_208 = tpu.memref_slice %arg5[%dma_start3A_203, %dma_start3A_207] : memref<16x100xi32, #tpu.memory_space<vmem>> -> memref<1x100xi32, #tpu.memory_space<vmem>>
      %dma_start3A_209 = tpu.memref_squeeze %dma_start3A_208 : memref<1x100xi32, #tpu.memory_space<vmem>> -> memref<100xi32, #tpu.memory_space<vmem>>
      %dma_start3A_210 = arith.constant 0 : i32
      %dma_start3A_211 = arith.constant 0 : i32
      %dma_start3A_212 = tpu.memref_slice %arg7[%dma_start3A_210, %dma_start3A_211] : memref<367x128xf32, #tpu.memory_space<vmem_shared>> -> memref<367x128xf32, #tpu.memory_space<vmem_shared>>
      tpu.enqueue_indirect_dma source(%dma_start3A_212 : memref<367x128xf32, #tpu.memory_space<vmem_shared>>) target(%dma_start3A_206 : memref<100x128xf32, #tpu.memory_space<vmem>>) offsets(%dma_start3A_209 : memref<100xi32, #tpu.memory_space<vmem>>) semaphore(%arg10 : memref<!tpu.dma_semaphore, #tpu.memory_space<semaphore_mem>>)
      %dma_start3A_213 = arith.constant 10 : i32
      %dma_start3A_214 = arith.constant 200 : i32
      %dma_start3A_215 = arith.constant 0 : i32
      %dma_start3A_216 = tpu.memref_slice %arg8[%dma_start3A_214, %dma_start3A_215] : memref<400x128xf32, #tpu.memory_space<vmem>> -> memref<100x128xf32, #tpu.memory_space<vmem>>
      %dma_start3A_217 = arith.constant 0 : i32
      %dma_start3A_218 = tpu.memref_slice %arg5[%dma_start3A_213, %dma_start3A_217] : memref<16x100xi32, #tpu.memory_space<vmem>> -> memref<1x100xi32, #tpu.memory_space<vmem>>
      %dma_start3A_219 = tpu.memref_squeeze %dma_start3A_218 : memref<1x100xi32, #tpu.memory_space<vmem>> -> memref<100xi32, #tpu.memory_space<vmem>>
      %dma_start3A_220 = arith.constant 0 : i32
      %dma_start3A_221 = arith.constant 0 : i32
      %dma_start3A_222 = tpu.memref_slice %arg7[%dma_start3A_220, %dma_start3A_221] : memref<367x128xf32, #tpu.memory_space<vmem_shared>> -> memref<367x128xf32, #tpu.memory_space<vmem_shared>>
      tpu.enqueue_indirect_dma source(%dma_start3A_222 : memref<367x128xf32, #tpu.memory_space<vmem_shared>>) target(%dma_start3A_216 : memref<100x128xf32, #tpu.memory_space<vmem>>) offsets(%dma_start3A_219 : memref<100xi32, #tpu.memory_space<vmem>>) semaphore(%arg10 : memref<!tpu.dma_semaphore, #tpu.memory_space<semaphore_mem>>)
      %dma_start3A_223 = arith.constant 11 : i32
      %dma_start3A_224 = arith.constant 300 : i32
      %dma_start3A_225 = arith.constant 0 : i32
      %dma_start3A_226 = tpu.memref_slice %arg8[%dma_start3A_224, %dma_start3A_225] : memref<400x128xf32, #tpu.memory_space<vmem>> -> memref<100x128xf32, #tpu.memory_space<vmem>>
      %dma_start3A_227 = arith.constant 0 : i32
      %dma_start3A_228 = tpu.memref_slice %arg5[%dma_start3A_223, %dma_start3A_227] : memref<16x100xi32, #tpu.memory_space<vmem>> -> memref<1x100xi32, #tpu.memory_space<vmem>>
      %dma_start3A_229 = tpu.memref_squeeze %dma_start3A_228 : memref<1x100xi32, #tpu.memory_space<vmem>> -> memref<100xi32, #tpu.memory_space<vmem>>
      %dma_start3A_230 = arith.constant 0 : i32
      %dma_start3A_231 = arith.constant 0 : i32
      %dma_start3A_232 = tpu.memref_slice %arg7[%dma_start3A_230, %dma_start3A_231] : memref<367x128xf32, #tpu.memory_space<vmem_shared>> -> memref<367x128xf32, #tpu.memory_space<vmem_shared>>
      tpu.enqueue_indirect_dma source(%dma_start3A_232 : memref<367x128xf32, #tpu.memory_space<vmem_shared>>) target(%dma_start3A_226 : memref<100x128xf32, #tpu.memory_space<vmem>>) offsets(%dma_start3A_229 : memref<100xi32, #tpu.memory_space<vmem>>) semaphore(%arg10 : memref<!tpu.dma_semaphore, #tpu.memory_space<semaphore_mem>>)
      %sub3A_233 = arith.constant 1 : i32
      %sub3A_234 = arith.subi %add3A_186, %sub3A_233 : i32
      %dma_wait3A_235 = arith.constant 0 : i32
      %dma_wait3A_236 = arith.constant 0 : i32
      %dma_wait3A_237 = tpu.memref_slice %arg4[%dma_wait3A_235, %dma_wait3A_236] : memref<3276800x128xf32, #tpu.memory_space<hbm>> -> memref<400x128xf32, #tpu.memory_space<hbm>>
      %dma_wait3A_238 = arith.constant 0 : i32
      %dma_wait3A_239 = arith.constant 0 : i32
      %dma_wait3A_240 = tpu.memref_slice %arg4[%dma_wait3A_238, %dma_wait3A_239] : memref<3276800x128xf32, #tpu.memory_space<hbm>> -> memref<400x128xf32, #tpu.memory_space<hbm>>
      tpu.wait_dma2 semaphore(%arg11 : memref<!tpu.dma_semaphore, #tpu.memory_space<semaphore_mem>>) src(%dma_wait3A_240 : memref<400x128xf32, #tpu.memory_space<hbm>>) dst(%arg9 : memref<400x128xf32, #tpu.memory_space<vmem>>)
      %mul3A_241 = arith.constant 400 : i32
      %mul3A_242 = arith.muli %sub3A_234, %mul3A_241 : i32
      %add3A_243 = arith.addi %mul3A_6, %mul3A_242 : i32
      %dma_start3A_244 = arith.constant 0 : i32
      %dma_start3A_245 = tpu.memref_slice %arg4[%add3A_243, %dma_start3A_244] : memref<3276800x128xf32, #tpu.memory_space<hbm>> -> memref<400x128xf32, #tpu.memory_space<hbm>>
      %dma_start3A_246 = arith.constant 0 : i32
      %dma_start3A_247 = tpu.memref_slice %arg4[%add3A_243, %dma_start3A_246] : memref<3276800x128xf32, #tpu.memory_space<hbm>> -> memref<400x128xf32, #tpu.memory_space<hbm>>
      tpu.enqueue_dma source(%arg9 : memref<400x128xf32, #tpu.memory_space<vmem>>) target(%dma_start3A_247 : memref<400x128xf32, #tpu.memory_space<hbm>>) target_semaphore(%arg13 : memref<!tpu.dma_semaphore, #tpu.memory_space<semaphore_mem>>)
      %mul3A_248 = arith.constant 4 : i32
      %mul3A_249 = arith.muli %mul3A_49, %mul3A_248 : i32
      %add3A_250 = arith.constant 3 : i32
      %add3A_251 = arith.addi %mul3A_249, %add3A_250 : i32
      %dma_wait3A_252 = arith.constant 0 : i32
      %dma_wait3A_253 = arith.constant 0 : i32
      %dma_wait3A_254 = tpu.memref_slice %arg4[%dma_wait3A_252, %dma_wait3A_253] : memref<3276800x128xf32, #tpu.memory_space<hbm>> -> memref<400x128xf32, #tpu.memory_space<hbm>>
      %dma_wait3A_255 = arith.constant 0 : i32
      %dma_wait3A_256 = arith.constant 0 : i32
      %dma_wait3A_257 = tpu.memref_slice %arg4[%dma_wait3A_255, %dma_wait3A_256] : memref<3276800x128xf32, #tpu.memory_space<hbm>> -> memref<400x128xf32, #tpu.memory_space<hbm>>
      tpu.wait_dma2 semaphore(%arg13 : memref<!tpu.dma_semaphore, #tpu.memory_space<semaphore_mem>>) src(%dma_wait3A_257 : memref<400x128xf32, #tpu.memory_space<hbm>>) dst(%arg9 : memref<400x128xf32, #tpu.memory_space<vmem>>)
      %dma_start3A_258 = arith.constant 12 : i32
      %dma_start3A_259 = arith.constant 0 : i32
      %dma_start3A_260 = arith.constant 0 : i32
      %dma_start3A_261 = tpu.memref_slice %arg9[%dma_start3A_259, %dma_start3A_260] : memref<400x128xf32, #tpu.memory_space<vmem>> -> memref<100x128xf32, #tpu.memory_space<vmem>>
      %dma_start3A_262 = arith.constant 0 : i32
      %dma_start3A_263 = tpu.memref_slice %arg5[%dma_start3A_258, %dma_start3A_262] : memref<16x100xi32, #tpu.memory_space<vmem>> -> memref<1x100xi32, #tpu.memory_space<vmem>>
      %dma_start3A_264 = tpu.memref_squeeze %dma_start3A_263 : memref<1x100xi32, #tpu.memory_space<vmem>> -> memref<100xi32, #tpu.memory_space<vmem>>
      %dma_start3A_265 = arith.constant 0 : i32
      %dma_start3A_266 = arith.constant 0 : i32
      %dma_start3A_267 = tpu.memref_slice %arg7[%dma_start3A_265, %dma_start3A_266] : memref<367x128xf32, #tpu.memory_space<vmem_shared>> -> memref<367x128xf32, #tpu.memory_space<vmem_shared>>
      tpu.enqueue_indirect_dma source(%dma_start3A_267 : memref<367x128xf32, #tpu.memory_space<vmem_shared>>) target(%dma_start3A_261 : memref<100x128xf32, #tpu.memory_space<vmem>>) offsets(%dma_start3A_264 : memref<100xi32, #tpu.memory_space<vmem>>) semaphore(%arg11 : memref<!tpu.dma_semaphore, #tpu.memory_space<semaphore_mem>>)
      %dma_start3A_268 = arith.constant 13 : i32
      %dma_start3A_269 = arith.constant 100 : i32
      %dma_start3A_270 = arith.constant 0 : i32
      %dma_start3A_271 = tpu.memref_slice %arg9[%dma_start3A_269, %dma_start3A_270] : memref<400x128xf32, #tpu.memory_space<vmem>> -> memref<100x128xf32, #tpu.memory_space<vmem>>
      %dma_start3A_272 = arith.constant 0 : i32
      %dma_start3A_273 = tpu.memref_slice %arg5[%dma_start3A_268, %dma_start3A_272] : memref<16x100xi32, #tpu.memory_space<vmem>> -> memref<1x100xi32, #tpu.memory_space<vmem>>
      %dma_start3A_274 = tpu.memref_squeeze %dma_start3A_273 : memref<1x100xi32, #tpu.memory_space<vmem>> -> memref<100xi32, #tpu.memory_space<vmem>>
      %dma_start3A_275 = arith.constant 0 : i32
      %dma_start3A_276 = arith.constant 0 : i32
      %dma_start3A_277 = tpu.memref_slice %arg7[%dma_start3A_275, %dma_start3A_276] : memref<367x128xf32, #tpu.memory_space<vmem_shared>> -> memref<367x128xf32, #tpu.memory_space<vmem_shared>>
      tpu.enqueue_indirect_dma source(%dma_start3A_277 : memref<367x128xf32, #tpu.memory_space<vmem_shared>>) target(%dma_start3A_271 : memref<100x128xf32, #tpu.memory_space<vmem>>) offsets(%dma_start3A_274 : memref<100xi32, #tpu.memory_space<vmem>>) semaphore(%arg11 : memref<!tpu.dma_semaphore, #tpu.memory_space<semaphore_mem>>)
      %dma_start3A_278 = arith.constant 14 : i32
      %dma_start3A_279 = arith.constant 200 : i32
      %dma_start3A_280 = arith.constant 0 : i32
      %dma_start3A_281 = tpu.memref_slice %arg9[%dma_start3A_279, %dma_start3A_280] : memref<400x128xf32, #tpu.memory_space<vmem>> -> memref<100x128xf32, #tpu.memory_space<vmem>>
      %dma_start3A_282 = arith.constant 0 : i32
      %dma_start3A_283 = tpu.memref_slice %arg5[%dma_start3A_278, %dma_start3A_282] : memref<16x100xi32, #tpu.memory_space<vmem>> -> memref<1x100xi32, #tpu.memory_space<vmem>>
      %dma_start3A_284 = tpu.memref_squeeze %dma_start3A_283 : memref<1x100xi32, #tpu.memory_space<vmem>> -> memref<100xi32, #tpu.memory_space<vmem>>
      %dma_start3A_285 = arith.constant 0 : i32
      %dma_start3A_286 = arith.constant 0 : i32
      %dma_start3A_287 = tpu.memref_slice %arg7[%dma_start3A_285, %dma_start3A_286] : memref<367x128xf32, #tpu.memory_space<vmem_shared>> -> memref<367x128xf32, #tpu.memory_space<vmem_shared>>
      tpu.enqueue_indirect_dma source(%dma_start3A_287 : memref<367x128xf32, #tpu.memory_space<vmem_shared>>) target(%dma_start3A_281 : memref<100x128xf32, #tpu.memory_space<vmem>>) offsets(%dma_start3A_284 : memref<100xi32, #tpu.memory_space<vmem>>) semaphore(%arg11 : memref<!tpu.dma_semaphore, #tpu.memory_space<semaphore_mem>>)
      %dma_start3A_288 = arith.constant 15 : i32
      %dma_start3A_289 = arith.constant 300 : i32
      %dma_start3A_290 = arith.constant 0 : i32
      %dma_start3A_291 = tpu.memref_slice %arg9[%dma_start3A_289, %dma_start3A_290] : memref<400x128xf32, #tpu.memory_space<vmem>> -> memref<100x128xf32, #tpu.memory_space<vmem>>
      %dma_start3A_292 = arith.constant 0 : i32
      %dma_start3A_293 = tpu.memref_slice %arg5[%dma_start3A_288, %dma_start3A_292] : memref<16x100xi32, #tpu.memory_space<vmem>> -> memref<1x100xi32, #tpu.memory_space<vmem>>
      %dma_start3A_294 = tpu.memref_squeeze %dma_start3A_293 : memref<1x100xi32, #tpu.memory_space<vmem>> -> memref<100xi32, #tpu.memory_space<vmem>>
      %dma_start3A_295 = arith.constant 0 : i32
      %dma_start3A_296 = arith.constant 0 : i32
      %dma_start3A_297 = tpu.memref_slice %arg7[%dma_start3A_295, %dma_start3A_296] : memref<367x128xf32, #tpu.memory_space<vmem_shared>> -> memref<367x128xf32, #tpu.memory_space<vmem_shared>>
      tpu.enqueue_indirect_dma source(%dma_start3A_297 : memref<367x128xf32, #tpu.memory_space<vmem_shared>>) target(%dma_start3A_291 : memref<100x128xf32, #tpu.memory_space<vmem>>) offsets(%dma_start3A_294 : memref<100xi32, #tpu.memory_space<vmem>>) semaphore(%arg11 : memref<!tpu.dma_semaphore, #tpu.memory_space<semaphore_mem>>)
      %sub3A_298 = arith.constant 1 : i32
      %sub3A_299 = arith.subi %add3A_251, %sub3A_298 : i32
      %dma_wait3A_300 = arith.constant 0 : i32
      %dma_wait3A_301 = arith.constant 0 : i32
      %dma_wait3A_302 = tpu.memref_slice %arg4[%dma_wait3A_300, %dma_wait3A_301] : memref<3276800x128xf32, #tpu.memory_space<hbm>> -> memref<400x128xf32, #tpu.memory_space<hbm>>
      %dma_wait3A_303 = arith.constant 0 : i32
      %dma_wait3A_304 = arith.constant 0 : i32
      %dma_wait3A_305 = tpu.memref_slice %arg4[%dma_wait3A_303, %dma_wait3A_304] : memref<3276800x128xf32, #tpu.memory_space<hbm>> -> memref<400x128xf32, #tpu.memory_space<hbm>>
      tpu.wait_dma2 semaphore(%arg10 : memref<!tpu.dma_semaphore, #tpu.memory_space<semaphore_mem>>) src(%dma_wait3A_305 : memref<400x128xf32, #tpu.memory_space<hbm>>) dst(%arg8 : memref<400x128xf32, #tpu.memory_space<vmem>>)
      %mul3A_306 = arith.constant 400 : i32
      %mul3A_307 = arith.muli %sub3A_299, %mul3A_306 : i32
      %add3A_308 = arith.addi %mul3A_6, %mul3A_307 : i32
      %dma_start3A_309 = arith.constant 0 : i32
      %dma_start3A_310 = tpu.memref_slice %arg4[%add3A_308, %dma_start3A_309] : memref<3276800x128xf32, #tpu.memory_space<hbm>> -> memref<400x128xf32, #tpu.memory_space<hbm>>
      %dma_start3A_311 = arith.constant 0 : i32
      %dma_start3A_312 = tpu.memref_slice %arg4[%add3A_308, %dma_start3A_311] : memref<3276800x128xf32, #tpu.memory_space<hbm>> -> memref<400x128xf32, #tpu.memory_space<hbm>>
      tpu.enqueue_dma source(%arg8 : memref<400x128xf32, #tpu.memory_space<vmem>>) target(%dma_start3A_312 : memref<400x128xf32, #tpu.memory_space<hbm>>) target_semaphore(%arg12 : memref<!tpu.dma_semaphore, #tpu.memory_space<semaphore_mem>>)
      %mul3A_313 = arith.constant 2 : i32
      %mul3A_314 = arith.muli %mul3A_313, %scan3A_47 : i32
      %add3A_315 = arith.constant 1 : i32
      %add3A_316 = arith.addi %mul3A_314, %add3A_315 : i32
      %dma_wait3A_317 = arith.constant 0 : i32
      %dma_wait3A_318 = arith.constant 0 : i32
      %dma_wait3A_319 = tpu.memref_slice %arg2[%dma_wait3A_317, %dma_wait3A_318] : memref<32768x100xi32, #tpu.memory_space<hbm>> -> memref<16x100xi32, #tpu.memory_space<hbm>>
      %dma_wait3A_320 = arith.constant 0 : i32
      %dma_wait3A_321 = arith.constant 0 : i32
      %dma_wait3A_322 = tpu.memref_slice %arg2[%dma_wait3A_320, %dma_wait3A_321] : memref<32768x100xi32, #tpu.memory_space<hbm>> -> memref<16x100xi32, #tpu.memory_space<hbm>>
      tpu.wait_dma2 semaphore(%arg15 : memref<!tpu.dma_semaphore, #tpu.memory_space<semaphore_mem>>) src(%dma_wait3A_322 : memref<16x100xi32, #tpu.memory_space<hbm>>) dst(%arg6 : memref<16x100xi32, #tpu.memory_space<vmem>>)
      %mul3A_323 = arith.constant 4 : i32
      %mul3A_324 = arith.muli %add3A_316, %mul3A_323 : i32
      %add3A_325 = arith.constant 0 : i32
      %add3A_326 = arith.addi %mul3A_324, %add3A_325 : i32
      %gt3A_327 = arith.constant 0 : i32
      %gt3A_328 = arith.cmpi sgt, %add3A_316, %gt3A_327 : i32
      %convert_element_type3A_329 = arith.extui %gt3A_328 : i1 to i32
      %cond3A_330 = arith.constant 0 : i32
      %cond3A_331 = arith.cmpi ne, %convert_element_type3A_329, %cond3A_330 : i32
      scf.if %cond3A_331 {
        %dma_wait3A_582 = arith.constant 0 : i32
        %dma_wait3A_583 = arith.constant 0 : i32
        %dma_wait3A_584 = tpu.memref_slice %arg4[%dma_wait3A_582, %dma_wait3A_583] : memref<3276800x128xf32, #tpu.memory_space<hbm>> -> memref<400x128xf32, #tpu.memory_space<hbm>>
        %dma_wait3A_585 = arith.constant 0 : i32
        %dma_wait3A_586 = arith.constant 0 : i32
        %dma_wait3A_587 = tpu.memref_slice %arg4[%dma_wait3A_585, %dma_wait3A_586] : memref<3276800x128xf32, #tpu.memory_space<hbm>> -> memref<400x128xf32, #tpu.memory_space<hbm>>
        tpu.wait_dma2 semaphore(%arg12 : memref<!tpu.dma_semaphore, #tpu.memory_space<semaphore_mem>>) src(%dma_wait3A_587 : memref<400x128xf32, #tpu.memory_space<hbm>>) dst(%arg8 : memref<400x128xf32, #tpu.memory_space<vmem>>)
      } else {
      }
      %dma_start3A_332 = arith.constant 0 : i32
      %dma_start3A_333 = arith.constant 0 : i32
      %dma_start3A_334 = arith.constant 0 : i32
      %dma_start3A_335 = tpu.memref_slice %arg8[%dma_start3A_333, %dma_start3A_334] : memref<400x128xf32, #tpu.memory_space<vmem>> -> memref<100x128xf32, #tpu.memory_space<vmem>>
      %dma_start3A_336 = arith.constant 0 : i32
      %dma_start3A_337 = tpu.memref_slice %arg6[%dma_start3A_332, %dma_start3A_336] : memref<16x100xi32, #tpu.memory_space<vmem>> -> memref<1x100xi32, #tpu.memory_space<vmem>>
      %dma_start3A_338 = tpu.memref_squeeze %dma_start3A_337 : memref<1x100xi32, #tpu.memory_space<vmem>> -> memref<100xi32, #tpu.memory_space<vmem>>
      %dma_start3A_339 = arith.constant 0 : i32
      %dma_start3A_340 = arith.constant 0 : i32
      %dma_start3A_341 = tpu.memref_slice %arg7[%dma_start3A_339, %dma_start3A_340] : memref<367x128xf32, #tpu.memory_space<vmem_shared>> -> memref<367x128xf32, #tpu.memory_space<vmem_shared>>
      tpu.enqueue_indirect_dma source(%dma_start3A_341 : memref<367x128xf32, #tpu.memory_space<vmem_shared>>) target(%dma_start3A_335 : memref<100x128xf32, #tpu.memory_space<vmem>>) offsets(%dma_start3A_338 : memref<100xi32, #tpu.memory_space<vmem>>) semaphore(%arg10 : memref<!tpu.dma_semaphore, #tpu.memory_space<semaphore_mem>>)
      %dma_start3A_342 = arith.constant 1 : i32
      %dma_start3A_343 = arith.constant 100 : i32
      %dma_start3A_344 = arith.constant 0 : i32
      %dma_start3A_345 = tpu.memref_slice %arg8[%dma_start3A_343, %dma_start3A_344] : memref<400x128xf32, #tpu.memory_space<vmem>> -> memref<100x128xf32, #tpu.memory_space<vmem>>
      %dma_start3A_346 = arith.constant 0 : i32
      %dma_start3A_347 = tpu.memref_slice %arg6[%dma_start3A_342, %dma_start3A_346] : memref<16x100xi32, #tpu.memory_space<vmem>> -> memref<1x100xi32, #tpu.memory_space<vmem>>
      %dma_start3A_348 = tpu.memref_squeeze %dma_start3A_347 : memref<1x100xi32, #tpu.memory_space<vmem>> -> memref<100xi32, #tpu.memory_space<vmem>>
      %dma_start3A_349 = arith.constant 0 : i32
      %dma_start3A_350 = arith.constant 0 : i32
      %dma_start3A_351 = tpu.memref_slice %arg7[%dma_start3A_349, %dma_start3A_350] : memref<367x128xf32, #tpu.memory_space<vmem_shared>> -> memref<367x128xf32, #tpu.memory_space<vmem_shared>>
      tpu.enqueue_indirect_dma source(%dma_start3A_351 : memref<367x128xf32, #tpu.memory_space<vmem_shared>>) target(%dma_start3A_345 : memref<100x128xf32, #tpu.memory_space<vmem>>) offsets(%dma_start3A_348 : memref<100xi32, #tpu.memory_space<vmem>>) semaphore(%arg10 : memref<!tpu.dma_semaphore, #tpu.memory_space<semaphore_mem>>)
      %dma_start3A_352 = arith.constant 2 : i32
      %dma_start3A_353 = arith.constant 200 : i32
      %dma_start3A_354 = arith.constant 0 : i32
      %dma_start3A_355 = tpu.memref_slice %arg8[%dma_start3A_353, %dma_start3A_354] : memref<400x128xf32, #tpu.memory_space<vmem>> -> memref<100x128xf32, #tpu.memory_space<vmem>>
      %dma_start3A_356 = arith.constant 0 : i32
      %dma_start3A_357 = tpu.memref_slice %arg6[%dma_start3A_352, %dma_start3A_356] : memref<16x100xi32, #tpu.memory_space<vmem>> -> memref<1x100xi32, #tpu.memory_space<vmem>>
      %dma_start3A_358 = tpu.memref_squeeze %dma_start3A_357 : memref<1x100xi32, #tpu.memory_space<vmem>> -> memref<100xi32, #tpu.memory_space<vmem>>
      %dma_start3A_359 = arith.constant 0 : i32
      %dma_start3A_360 = arith.constant 0 : i32
      %dma_start3A_361 = tpu.memref_slice %arg7[%dma_start3A_359, %dma_start3A_360] : memref<367x128xf32, #tpu.memory_space<vmem_shared>> -> memref<367x128xf32, #tpu.memory_space<vmem_shared>>
      tpu.enqueue_indirect_dma source(%dma_start3A_361 : memref<367x128xf32, #tpu.memory_space<vmem_shared>>) target(%dma_start3A_355 : memref<100x128xf32, #tpu.memory_space<vmem>>) offsets(%dma_start3A_358 : memref<100xi32, #tpu.memory_space<vmem>>) semaphore(%arg10 : memref<!tpu.dma_semaphore, #tpu.memory_space<semaphore_mem>>)
      %dma_start3A_362 = arith.constant 3 : i32
      %dma_start3A_363 = arith.constant 300 : i32
      %dma_start3A_364 = arith.constant 0 : i32
      %dma_start3A_365 = tpu.memref_slice %arg8[%dma_start3A_363, %dma_start3A_364] : memref<400x128xf32, #tpu.memory_space<vmem>> -> memref<100x128xf32, #tpu.memory_space<vmem>>
      %dma_start3A_366 = arith.constant 0 : i32
      %dma_start3A_367 = tpu.memref_slice %arg6[%dma_start3A_362, %dma_start3A_366] : memref<16x100xi32, #tpu.memory_space<vmem>> -> memref<1x100xi32, #tpu.memory_space<vmem>>
      %dma_start3A_368 = tpu.memref_squeeze %dma_start3A_367 : memref<1x100xi32, #tpu.memory_space<vmem>> -> memref<100xi32, #tpu.memory_space<vmem>>
      %dma_start3A_369 = arith.constant 0 : i32
      %dma_start3A_370 = arith.constant 0 : i32
      %dma_start3A_371 = tpu.memref_slice %arg7[%dma_start3A_369, %dma_start3A_370] : memref<367x128xf32, #tpu.memory_space<vmem_shared>> -> memref<367x128xf32, #tpu.memory_space<vmem_shared>>
      tpu.enqueue_indirect_dma source(%dma_start3A_371 : memref<367x128xf32, #tpu.memory_space<vmem_shared>>) target(%dma_start3A_365 : memref<100x128xf32, #tpu.memory_space<vmem>>) offsets(%dma_start3A_368 : memref<100xi32, #tpu.memory_space<vmem>>) semaphore(%arg10 : memref<!tpu.dma_semaphore, #tpu.memory_space<semaphore_mem>>)
      %gt3A_372 = arith.constant 0 : i32
      %gt3A_373 = arith.cmpi sgt, %add3A_316, %gt3A_372 : i32
      %convert_element_type3A_374 = arith.extui %gt3A_373 : i1 to i32
      %cond3A_375 = arith.constant 0 : i32
      %cond3A_376 = arith.cmpi ne, %convert_element_type3A_374, %cond3A_375 : i32
      scf.if %cond3A_376 {
        %sub3A_582 = arith.constant 1 : i32
        %sub3A_583 = arith.subi %add3A_326, %sub3A_582 : i32
        %dma_wait3A_584 = arith.constant 0 : i32
        %dma_wait3A_585 = arith.constant 0 : i32
        %dma_wait3A_586 = tpu.memref_slice %arg4[%dma_wait3A_584, %dma_wait3A_585] : memref<3276800x128xf32, #tpu.memory_space<hbm>> -> memref<400x128xf32, #tpu.memory_space<hbm>>
        %dma_wait3A_587 = arith.constant 0 : i32
        %dma_wait3A_588 = arith.constant 0 : i32
        %dma_wait3A_589 = tpu.memref_slice %arg4[%dma_wait3A_587, %dma_wait3A_588] : memref<3276800x128xf32, #tpu.memory_space<hbm>> -> memref<400x128xf32, #tpu.memory_space<hbm>>
        tpu.wait_dma2 semaphore(%arg11 : memref<!tpu.dma_semaphore, #tpu.memory_space<semaphore_mem>>) src(%dma_wait3A_589 : memref<400x128xf32, #tpu.memory_space<hbm>>) dst(%arg9 : memref<400x128xf32, #tpu.memory_space<vmem>>)
        %mul3A_590 = arith.constant 400 : i32
        %mul3A_591 = arith.muli %sub3A_583, %mul3A_590 : i32
        %add3A_592 = arith.addi %mul3A_6, %mul3A_591 : i32
        %dma_start3A_593 = arith.constant 0 : i32
        %dma_start3A_594 = tpu.memref_slice %arg4[%add3A_592, %dma_start3A_593] : memref<3276800x128xf32, #tpu.memory_space<hbm>> -> memref<400x128xf32, #tpu.memory_space<hbm>>
        %dma_start3A_595 = arith.constant 0 : i32
        %dma_start3A_596 = tpu.memref_slice %arg4[%add3A_592, %dma_start3A_595] : memref<3276800x128xf32, #tpu.memory_space<hbm>> -> memref<400x128xf32, #tpu.memory_space<hbm>>
        tpu.enqueue_dma source(%arg9 : memref<400x128xf32, #tpu.memory_space<vmem>>) target(%dma_start3A_596 : memref<400x128xf32, #tpu.memory_space<hbm>>) target_semaphore(%arg13 : memref<!tpu.dma_semaphore, #tpu.memory_space<semaphore_mem>>)
      } else {
      }
      %add3A_377 = arith.constant 1 : i32
      %add3A_378 = arith.addi %add3A_316, %add3A_377 : i32
      %mul3A_379 = arith.constant 16 : i32
      %mul3A_380 = arith.muli %add3A_378, %mul3A_379 : i32
      %add3A_381 = arith.addi %mul3A_4, %mul3A_380 : i32
      %min3A_382 = arith.constant 32752 : i32
      %min3A_383 = arith.minsi %add3A_381, %min3A_382 : i32
      %dma_start3A_384 = arith.constant 0 : i32
      %dma_start3A_385 = tpu.memref_slice %arg2[%min3A_383, %dma_start3A_384] : memref<32768x100xi32, #tpu.memory_space<hbm>> -> memref<16x100xi32, #tpu.memory_space<hbm>>
      %dma_start3A_386 = arith.constant 0 : i32
      %dma_start3A_387 = tpu.memref_slice %arg2[%min3A_383, %dma_start3A_386] : memref<32768x100xi32, #tpu.memory_space<hbm>> -> memref<16x100xi32, #tpu.memory_space<hbm>>
      tpu.enqueue_dma source(%dma_start3A_387 : memref<16x100xi32, #tpu.memory_space<hbm>>) target(%arg5 : memref<16x100xi32, #tpu.memory_space<vmem>>) target_semaphore(%arg14 : memref<!tpu.dma_semaphore, #tpu.memory_space<semaphore_mem>>)
      %mul3A_388 = arith.constant 4 : i32
      %mul3A_389 = arith.muli %add3A_316, %mul3A_388 : i32
      %add3A_390 = arith.constant 1 : i32
      %add3A_391 = arith.addi %mul3A_389, %add3A_390 : i32
      %gt3A_392 = arith.constant 0 : i32
      %gt3A_393 = arith.cmpi sgt, %add3A_316, %gt3A_392 : i32
      %convert_element_type3A_394 = arith.extui %gt3A_393 : i1 to i32
      %cond3A_395 = arith.constant 0 : i32
      %cond3A_396 = arith.cmpi ne, %convert_element_type3A_394, %cond3A_395 : i32
      scf.if %cond3A_396 {
        %dma_wait3A_582 = arith.constant 0 : i32
        %dma_wait3A_583 = arith.constant 0 : i32
        %dma_wait3A_584 = tpu.memref_slice %arg4[%dma_wait3A_582, %dma_wait3A_583] : memref<3276800x128xf32, #tpu.memory_space<hbm>> -> memref<400x128xf32, #tpu.memory_space<hbm>>
        %dma_wait3A_585 = arith.constant 0 : i32
        %dma_wait3A_586 = arith.constant 0 : i32
        %dma_wait3A_587 = tpu.memref_slice %arg4[%dma_wait3A_585, %dma_wait3A_586] : memref<3276800x128xf32, #tpu.memory_space<hbm>> -> memref<400x128xf32, #tpu.memory_space<hbm>>
        tpu.wait_dma2 semaphore(%arg13 : memref<!tpu.dma_semaphore, #tpu.memory_space<semaphore_mem>>) src(%dma_wait3A_587 : memref<400x128xf32, #tpu.memory_space<hbm>>) dst(%arg9 : memref<400x128xf32, #tpu.memory_space<vmem>>)
      } else {
      }
      %dma_start3A_397 = arith.constant 4 : i32
      %dma_start3A_398 = arith.constant 0 : i32
      %dma_start3A_399 = arith.constant 0 : i32
      %dma_start3A_400 = tpu.memref_slice %arg9[%dma_start3A_398, %dma_start3A_399] : memref<400x128xf32, #tpu.memory_space<vmem>> -> memref<100x128xf32, #tpu.memory_space<vmem>>
      %dma_start3A_401 = arith.constant 0 : i32
      %dma_start3A_402 = tpu.memref_slice %arg6[%dma_start3A_397, %dma_start3A_401] : memref<16x100xi32, #tpu.memory_space<vmem>> -> memref<1x100xi32, #tpu.memory_space<vmem>>
      %dma_start3A_403 = tpu.memref_squeeze %dma_start3A_402 : memref<1x100xi32, #tpu.memory_space<vmem>> -> memref<100xi32, #tpu.memory_space<vmem>>
      %dma_start3A_404 = arith.constant 0 : i32
      %dma_start3A_405 = arith.constant 0 : i32
      %dma_start3A_406 = tpu.memref_slice %arg7[%dma_start3A_404, %dma_start3A_405] : memref<367x128xf32, #tpu.memory_space<vmem_shared>> -> memref<367x128xf32, #tpu.memory_space<vmem_shared>>
      tpu.enqueue_indirect_dma source(%dma_start3A_406 : memref<367x128xf32, #tpu.memory_space<vmem_shared>>) target(%dma_start3A_400 : memref<100x128xf32, #tpu.memory_space<vmem>>) offsets(%dma_start3A_403 : memref<100xi32, #tpu.memory_space<vmem>>) semaphore(%arg11 : memref<!tpu.dma_semaphore, #tpu.memory_space<semaphore_mem>>)
      %dma_start3A_407 = arith.constant 5 : i32
      %dma_start3A_408 = arith.constant 100 : i32
      %dma_start3A_409 = arith.constant 0 : i32
      %dma_start3A_410 = tpu.memref_slice %arg9[%dma_start3A_408, %dma_start3A_409] : memref<400x128xf32, #tpu.memory_space<vmem>> -> memref<100x128xf32, #tpu.memory_space<vmem>>
      %dma_start3A_411 = arith.constant 0 : i32
      %dma_start3A_412 = tpu.memref_slice %arg6[%dma_start3A_407, %dma_start3A_411] : memref<16x100xi32, #tpu.memory_space<vmem>> -> memref<1x100xi32, #tpu.memory_space<vmem>>
      %dma_start3A_413 = tpu.memref_squeeze %dma_start3A_412 : memref<1x100xi32, #tpu.memory_space<vmem>> -> memref<100xi32, #tpu.memory_space<vmem>>
      %dma_start3A_414 = arith.constant 0 : i32
      %dma_start3A_415 = arith.constant 0 : i32
      %dma_start3A_416 = tpu.memref_slice %arg7[%dma_start3A_414, %dma_start3A_415] : memref<367x128xf32, #tpu.memory_space<vmem_shared>> -> memref<367x128xf32, #tpu.memory_space<vmem_shared>>
      tpu.enqueue_indirect_dma source(%dma_start3A_416 : memref<367x128xf32, #tpu.memory_space<vmem_shared>>) target(%dma_start3A_410 : memref<100x128xf32, #tpu.memory_space<vmem>>) offsets(%dma_start3A_413 : memref<100xi32, #tpu.memory_space<vmem>>) semaphore(%arg11 : memref<!tpu.dma_semaphore, #tpu.memory_space<semaphore_mem>>)
      %dma_start3A_417 = arith.constant 6 : i32
      %dma_start3A_418 = arith.constant 200 : i32
      %dma_start3A_419 = arith.constant 0 : i32
      %dma_start3A_420 = tpu.memref_slice %arg9[%dma_start3A_418, %dma_start3A_419] : memref<400x128xf32, #tpu.memory_space<vmem>> -> memref<100x128xf32, #tpu.memory_space<vmem>>
      %dma_start3A_421 = arith.constant 0 : i32
      %dma_start3A_422 = tpu.memref_slice %arg6[%dma_start3A_417, %dma_start3A_421] : memref<16x100xi32, #tpu.memory_space<vmem>> -> memref<1x100xi32, #tpu.memory_space<vmem>>
      %dma_start3A_423 = tpu.memref_squeeze %dma_start3A_422 : memref<1x100xi32, #tpu.memory_space<vmem>> -> memref<100xi32, #tpu.memory_space<vmem>>
      %dma_start3A_424 = arith.constant 0 : i32
      %dma_start3A_425 = arith.constant 0 : i32
      %dma_start3A_426 = tpu.memref_slice %arg7[%dma_start3A_424, %dma_start3A_425] : memref<367x128xf32, #tpu.memory_space<vmem_shared>> -> memref<367x128xf32, #tpu.memory_space<vmem_shared>>
      tpu.enqueue_indirect_dma source(%dma_start3A_426 : memref<367x128xf32, #tpu.memory_space<vmem_shared>>) target(%dma_start3A_420 : memref<100x128xf32, #tpu.memory_space<vmem>>) offsets(%dma_start3A_423 : memref<100xi32, #tpu.memory_space<vmem>>) semaphore(%arg11 : memref<!tpu.dma_semaphore, #tpu.memory_space<semaphore_mem>>)
      %dma_start3A_427 = arith.constant 7 : i32
      %dma_start3A_428 = arith.constant 300 : i32
      %dma_start3A_429 = arith.constant 0 : i32
      %dma_start3A_430 = tpu.memref_slice %arg9[%dma_start3A_428, %dma_start3A_429] : memref<400x128xf32, #tpu.memory_space<vmem>> -> memref<100x128xf32, #tpu.memory_space<vmem>>
      %dma_start3A_431 = arith.constant 0 : i32
      %dma_start3A_432 = tpu.memref_slice %arg6[%dma_start3A_427, %dma_start3A_431] : memref<16x100xi32, #tpu.memory_space<vmem>> -> memref<1x100xi32, #tpu.memory_space<vmem>>
      %dma_start3A_433 = tpu.memref_squeeze %dma_start3A_432 : memref<1x100xi32, #tpu.memory_space<vmem>> -> memref<100xi32, #tpu.memory_space<vmem>>
      %dma_start3A_434 = arith.constant 0 : i32
      %dma_start3A_435 = arith.constant 0 : i32
      %dma_start3A_436 = tpu.memref_slice %arg7[%dma_start3A_434, %dma_start3A_435] : memref<367x128xf32, #tpu.memory_space<vmem_shared>> -> memref<367x128xf32, #tpu.memory_space<vmem_shared>>
      tpu.enqueue_indirect_dma source(%dma_start3A_436 : memref<367x128xf32, #tpu.memory_space<vmem_shared>>) target(%dma_start3A_430 : memref<100x128xf32, #tpu.memory_space<vmem>>) offsets(%dma_start3A_433 : memref<100xi32, #tpu.memory_space<vmem>>) semaphore(%arg11 : memref<!tpu.dma_semaphore, #tpu.memory_space<semaphore_mem>>)
      %sub3A_437 = arith.constant 1 : i32
      %sub3A_438 = arith.subi %add3A_391, %sub3A_437 : i32
      %dma_wait3A_439 = arith.constant 0 : i32
      %dma_wait3A_440 = arith.constant 0 : i32
      %dma_wait3A_441 = tpu.memref_slice %arg4[%dma_wait3A_439, %dma_wait3A_440] : memref<3276800x128xf32, #tpu.memory_space<hbm>> -> memref<400x128xf32, #tpu.memory_space<hbm>>
      %dma_wait3A_442 = arith.constant 0 : i32
      %dma_wait3A_443 = arith.constant 0 : i32
      %dma_wait3A_444 = tpu.memref_slice %arg4[%dma_wait3A_442, %dma_wait3A_443] : memref<3276800x128xf32, #tpu.memory_space<hbm>> -> memref<400x128xf32, #tpu.memory_space<hbm>>
      tpu.wait_dma2 semaphore(%arg10 : memref<!tpu.dma_semaphore, #tpu.memory_space<semaphore_mem>>) src(%dma_wait3A_444 : memref<400x128xf32, #tpu.memory_space<hbm>>) dst(%arg8 : memref<400x128xf32, #tpu.memory_space<vmem>>)
      %mul3A_445 = arith.constant 400 : i32
      %mul3A_446 = arith.muli %sub3A_438, %mul3A_445 : i32
      %add3A_447 = arith.addi %mul3A_6, %mul3A_446 : i32
      %dma_start3A_448 = arith.constant 0 : i32
      %dma_start3A_449 = tpu.memref_slice %arg4[%add3A_447, %dma_start3A_448] : memref<3276800x128xf32, #tpu.memory_space<hbm>> -> memref<400x128xf32, #tpu.memory_space<hbm>>
      %dma_start3A_450 = arith.constant 0 : i32
      %dma_start3A_451 = tpu.memref_slice %arg4[%add3A_447, %dma_start3A_450] : memref<3276800x128xf32, #tpu.memory_space<hbm>> -> memref<400x128xf32, #tpu.memory_space<hbm>>
      tpu.enqueue_dma source(%arg8 : memref<400x128xf32, #tpu.memory_space<vmem>>) target(%dma_start3A_451 : memref<400x128xf32, #tpu.memory_space<hbm>>) target_semaphore(%arg12 : memref<!tpu.dma_semaphore, #tpu.memory_space<semaphore_mem>>)
      %mul3A_452 = arith.constant 4 : i32
      %mul3A_453 = arith.muli %add3A_316, %mul3A_452 : i32
      %add3A_454 = arith.constant 2 : i32
      %add3A_455 = arith.addi %mul3A_453, %add3A_454 : i32
      %dma_wait3A_456 = arith.constant 0 : i32
      %dma_wait3A_457 = arith.constant 0 : i32
      %dma_wait3A_458 = tpu.memref_slice %arg4[%dma_wait3A_456, %dma_wait3A_457] : memref<3276800x128xf32, #tpu.memory_space<hbm>> -> memref<400x128xf32, #tpu.memory_space<hbm>>
      %dma_wait3A_459 = arith.constant 0 : i32
      %dma_wait3A_460 = arith.constant 0 : i32
      %dma_wait3A_461 = tpu.memref_slice %arg4[%dma_wait3A_459, %dma_wait3A_460] : memref<3276800x128xf32, #tpu.memory_space<hbm>> -> memref<400x128xf32, #tpu.memory_space<hbm>>
      tpu.wait_dma2 semaphore(%arg12 : memref<!tpu.dma_semaphore, #tpu.memory_space<semaphore_mem>>) src(%dma_wait3A_461 : memref<400x128xf32, #tpu.memory_space<hbm>>) dst(%arg8 : memref<400x128xf32, #tpu.memory_space<vmem>>)
      %dma_start3A_462 = arith.constant 8 : i32
      %dma_start3A_463 = arith.constant 0 : i32
      %dma_start3A_464 = arith.constant 0 : i32
      %dma_start3A_465 = tpu.memref_slice %arg8[%dma_start3A_463, %dma_start3A_464] : memref<400x128xf32, #tpu.memory_space<vmem>> -> memref<100x128xf32, #tpu.memory_space<vmem>>
      %dma_start3A_466 = arith.constant 0 : i32
      %dma_start3A_467 = tpu.memref_slice %arg6[%dma_start3A_462, %dma_start3A_466] : memref<16x100xi32, #tpu.memory_space<vmem>> -> memref<1x100xi32, #tpu.memory_space<vmem>>
      %dma_start3A_468 = tpu.memref_squeeze %dma_start3A_467 : memref<1x100xi32, #tpu.memory_space<vmem>> -> memref<100xi32, #tpu.memory_space<vmem>>
      %dma_start3A_469 = arith.constant 0 : i32
      %dma_start3A_470 = arith.constant 0 : i32
      %dma_start3A_471 = tpu.memref_slice %arg7[%dma_start3A_469, %dma_start3A_470] : memref<367x128xf32, #tpu.memory_space<vmem_shared>> -> memref<367x128xf32, #tpu.memory_space<vmem_shared>>
      tpu.enqueue_indirect_dma source(%dma_start3A_471 : memref<367x128xf32, #tpu.memory_space<vmem_shared>>) target(%dma_start3A_465 : memref<100x128xf32, #tpu.memory_space<vmem>>) offsets(%dma_start3A_468 : memref<100xi32, #tpu.memory_space<vmem>>) semaphore(%arg10 : memref<!tpu.dma_semaphore, #tpu.memory_space<semaphore_mem>>)
      %dma_start3A_472 = arith.constant 9 : i32
      %dma_start3A_473 = arith.constant 100 : i32
      %dma_start3A_474 = arith.constant 0 : i32
      %dma_start3A_475 = tpu.memref_slice %arg8[%dma_start3A_473, %dma_start3A_474] : memref<400x128xf32, #tpu.memory_space<vmem>> -> memref<100x128xf32, #tpu.memory_space<vmem>>
      %dma_start3A_476 = arith.constant 0 : i32
      %dma_start3A_477 = tpu.memref_slice %arg6[%dma_start3A_472, %dma_start3A_476] : memref<16x100xi32, #tpu.memory_space<vmem>> -> memref<1x100xi32, #tpu.memory_space<vmem>>
      %dma_start3A_478 = tpu.memref_squeeze %dma_start3A_477 : memref<1x100xi32, #tpu.memory_space<vmem>> -> memref<100xi32, #tpu.memory_space<vmem>>
      %dma_start3A_479 = arith.constant 0 : i32
      %dma_start3A_480 = arith.constant 0 : i32
      %dma_start3A_481 = tpu.memref_slice %arg7[%dma_start3A_479, %dma_start3A_480] : memref<367x128xf32, #tpu.memory_space<vmem_shared>> -> memref<367x128xf32, #tpu.memory_space<vmem_shared>>
      tpu.enqueue_indirect_dma source(%dma_start3A_481 : memref<367x128xf32, #tpu.memory_space<vmem_shared>>) target(%dma_start3A_475 : memref<100x128xf32, #tpu.memory_space<vmem>>) offsets(%dma_start3A_478 : memref<100xi32, #tpu.memory_space<vmem>>) semaphore(%arg10 : memref<!tpu.dma_semaphore, #tpu.memory_space<semaphore_mem>>)
      %dma_start3A_482 = arith.constant 10 : i32
      %dma_start3A_483 = arith.constant 200 : i32
      %dma_start3A_484 = arith.constant 0 : i32
      %dma_start3A_485 = tpu.memref_slice %arg8[%dma_start3A_483, %dma_start3A_484] : memref<400x128xf32, #tpu.memory_space<vmem>> -> memref<100x128xf32, #tpu.memory_space<vmem>>
      %dma_start3A_486 = arith.constant 0 : i32
      %dma_start3A_487 = tpu.memref_slice %arg6[%dma_start3A_482, %dma_start3A_486] : memref<16x100xi32, #tpu.memory_space<vmem>> -> memref<1x100xi32, #tpu.memory_space<vmem>>
      %dma_start3A_488 = tpu.memref_squeeze %dma_start3A_487 : memref<1x100xi32, #tpu.memory_space<vmem>> -> memref<100xi32, #tpu.memory_space<vmem>>
      %dma_start3A_489 = arith.constant 0 : i32
      %dma_start3A_490 = arith.constant 0 : i32
      %dma_start3A_491 = tpu.memref_slice %arg7[%dma_start3A_489, %dma_start3A_490] : memref<367x128xf32, #tpu.memory_space<vmem_shared>> -> memref<367x128xf32, #tpu.memory_space<vmem_shared>>
      tpu.enqueue_indirect_dma source(%dma_start3A_491 : memref<367x128xf32, #tpu.memory_space<vmem_shared>>) target(%dma_start3A_485 : memref<100x128xf32, #tpu.memory_space<vmem>>) offsets(%dma_start3A_488 : memref<100xi32, #tpu.memory_space<vmem>>) semaphore(%arg10 : memref<!tpu.dma_semaphore, #tpu.memory_space<semaphore_mem>>)
      %dma_start3A_492 = arith.constant 11 : i32
      %dma_start3A_493 = arith.constant 300 : i32
      %dma_start3A_494 = arith.constant 0 : i32
      %dma_start3A_495 = tpu.memref_slice %arg8[%dma_start3A_493, %dma_start3A_494] : memref<400x128xf32, #tpu.memory_space<vmem>> -> memref<100x128xf32, #tpu.memory_space<vmem>>
      %dma_start3A_496 = arith.constant 0 : i32
      %dma_start3A_497 = tpu.memref_slice %arg6[%dma_start3A_492, %dma_start3A_496] : memref<16x100xi32, #tpu.memory_space<vmem>> -> memref<1x100xi32, #tpu.memory_space<vmem>>
      %dma_start3A_498 = tpu.memref_squeeze %dma_start3A_497 : memref<1x100xi32, #tpu.memory_space<vmem>> -> memref<100xi32, #tpu.memory_space<vmem>>
      %dma_start3A_499 = arith.constant 0 : i32
      %dma_start3A_500 = arith.constant 0 : i32
      %dma_start3A_501 = tpu.memref_slice %arg7[%dma_start3A_499, %dma_start3A_500] : memref<367x128xf32, #tpu.memory_space<vmem_shared>> -> memref<367x128xf32, #tpu.memory_space<vmem_shared>>
      tpu.enqueue_indirect_dma source(%dma_start3A_501 : memref<367x128xf32, #tpu.memory_space<vmem_shared>>) target(%dma_start3A_495 : memref<100x128xf32, #tpu.memory_space<vmem>>) offsets(%dma_start3A_498 : memref<100xi32, #tpu.memory_space<vmem>>) semaphore(%arg10 : memref<!tpu.dma_semaphore, #tpu.memory_space<semaphore_mem>>)
      %sub3A_502 = arith.constant 1 : i32
      %sub3A_503 = arith.subi %add3A_455, %sub3A_502 : i32
      %dma_wait3A_504 = arith.constant 0 : i32
      %dma_wait3A_505 = arith.constant 0 : i32
      %dma_wait3A_506 = tpu.memref_slice %arg4[%dma_wait3A_504, %dma_wait3A_505] : memref<3276800x128xf32, #tpu.memory_space<hbm>> -> memref<400x128xf32, #tpu.memory_space<hbm>>
      %dma_wait3A_507 = arith.constant 0 : i32
      %dma_wait3A_508 = arith.constant 0 : i32
      %dma_wait3A_509 = tpu.memref_slice %arg4[%dma_wait3A_507, %dma_wait3A_508] : memref<3276800x128xf32, #tpu.memory_space<hbm>> -> memref<400x128xf32, #tpu.memory_space<hbm>>
      tpu.wait_dma2 semaphore(%arg11 : memref<!tpu.dma_semaphore, #tpu.memory_space<semaphore_mem>>) src(%dma_wait3A_509 : memref<400x128xf32, #tpu.memory_space<hbm>>) dst(%arg9 : memref<400x128xf32, #tpu.memory_space<vmem>>)
      %mul3A_510 = arith.constant 400 : i32
      %mul3A_511 = arith.muli %sub3A_503, %mul3A_510 : i32
      %add3A_512 = arith.addi %mul3A_6, %mul3A_511 : i32
      %dma_start3A_513 = arith.constant 0 : i32
      %dma_start3A_514 = tpu.memref_slice %arg4[%add3A_512, %dma_start3A_513] : memref<3276800x128xf32, #tpu.memory_space<hbm>> -> memref<400x128xf32, #tpu.memory_space<hbm>>
      %dma_start3A_515 = arith.constant 0 : i32
      %dma_start3A_516 = tpu.memref_slice %arg4[%add3A_512, %dma_start3A_515] : memref<3276800x128xf32, #tpu.memory_space<hbm>> -> memref<400x128xf32, #tpu.memory_space<hbm>>
      tpu.enqueue_dma source(%arg9 : memref<400x128xf32, #tpu.memory_space<vmem>>) target(%dma_start3A_516 : memref<400x128xf32, #tpu.memory_space<hbm>>) target_semaphore(%arg13 : memref<!tpu.dma_semaphore, #tpu.memory_space<semaphore_mem>>)
      %mul3A_517 = arith.constant 4 : i32
      %mul3A_518 = arith.muli %add3A_316, %mul3A_517 : i32
      %add3A_519 = arith.constant 3 : i32
      %add3A_520 = arith.addi %mul3A_518, %add3A_519 : i32
      %dma_wait3A_521 = arith.constant 0 : i32
      %dma_wait3A_522 = arith.constant 0 : i32
      %dma_wait3A_523 = tpu.memref_slice %arg4[%dma_wait3A_521, %dma_wait3A_522] : memref<3276800x128xf32, #tpu.memory_space<hbm>> -> memref<400x128xf32, #tpu.memory_space<hbm>>
      %dma_wait3A_524 = arith.constant 0 : i32
      %dma_wait3A_525 = arith.constant 0 : i32
      %dma_wait3A_526 = tpu.memref_slice %arg4[%dma_wait3A_524, %dma_wait3A_525] : memref<3276800x128xf32, #tpu.memory_space<hbm>> -> memref<400x128xf32, #tpu.memory_space<hbm>>
      tpu.wait_dma2 semaphore(%arg13 : memref<!tpu.dma_semaphore, #tpu.memory_space<semaphore_mem>>) src(%dma_wait3A_526 : memref<400x128xf32, #tpu.memory_space<hbm>>) dst(%arg9 : memref<400x128xf32, #tpu.memory_space<vmem>>)
      %dma_start3A_527 = arith.constant 12 : i32
      %dma_start3A_528 = arith.constant 0 : i32
      %dma_start3A_529 = arith.constant 0 : i32
      %dma_start3A_530 = tpu.memref_slice %arg9[%dma_start3A_528, %dma_start3A_529] : memref<400x128xf32, #tpu.memory_space<vmem>> -> memref<100x128xf32, #tpu.memory_space<vmem>>
      %dma_start3A_531 = arith.constant 0 : i32
      %dma_start3A_532 = tpu.memref_slice %arg6[%dma_start3A_527, %dma_start3A_531] : memref<16x100xi32, #tpu.memory_space<vmem>> -> memref<1x100xi32, #tpu.memory_space<vmem>>
      %dma_start3A_533 = tpu.memref_squeeze %dma_start3A_532 : memref<1x100xi32, #tpu.memory_space<vmem>> -> memref<100xi32, #tpu.memory_space<vmem>>
      %dma_start3A_534 = arith.constant 0 : i32
      %dma_start3A_535 = arith.constant 0 : i32
      %dma_start3A_536 = tpu.memref_slice %arg7[%dma_start3A_534, %dma_start3A_535] : memref<367x128xf32, #tpu.memory_space<vmem_shared>> -> memref<367x128xf32, #tpu.memory_space<vmem_shared>>
      tpu.enqueue_indirect_dma source(%dma_start3A_536 : memref<367x128xf32, #tpu.memory_space<vmem_shared>>) target(%dma_start3A_530 : memref<100x128xf32, #tpu.memory_space<vmem>>) offsets(%dma_start3A_533 : memref<100xi32, #tpu.memory_space<vmem>>) semaphore(%arg11 : memref<!tpu.dma_semaphore, #tpu.memory_space<semaphore_mem>>)
      %dma_start3A_537 = arith.constant 13 : i32
      %dma_start3A_538 = arith.constant 100 : i32
      %dma_start3A_539 = arith.constant 0 : i32
      %dma_start3A_540 = tpu.memref_slice %arg9[%dma_start3A_538, %dma_start3A_539] : memref<400x128xf32, #tpu.memory_space<vmem>> -> memref<100x128xf32, #tpu.memory_space<vmem>>
      %dma_start3A_541 = arith.constant 0 : i32
      %dma_start3A_542 = tpu.memref_slice %arg6[%dma_start3A_537, %dma_start3A_541] : memref<16x100xi32, #tpu.memory_space<vmem>> -> memref<1x100xi32, #tpu.memory_space<vmem>>
      %dma_start3A_543 = tpu.memref_squeeze %dma_start3A_542 : memref<1x100xi32, #tpu.memory_space<vmem>> -> memref<100xi32, #tpu.memory_space<vmem>>
      %dma_start3A_544 = arith.constant 0 : i32
      %dma_start3A_545 = arith.constant 0 : i32
      %dma_start3A_546 = tpu.memref_slice %arg7[%dma_start3A_544, %dma_start3A_545] : memref<367x128xf32, #tpu.memory_space<vmem_shared>> -> memref<367x128xf32, #tpu.memory_space<vmem_shared>>
      tpu.enqueue_indirect_dma source(%dma_start3A_546 : memref<367x128xf32, #tpu.memory_space<vmem_shared>>) target(%dma_start3A_540 : memref<100x128xf32, #tpu.memory_space<vmem>>) offsets(%dma_start3A_543 : memref<100xi32, #tpu.memory_space<vmem>>) semaphore(%arg11 : memref<!tpu.dma_semaphore, #tpu.memory_space<semaphore_mem>>)
      %dma_start3A_547 = arith.constant 14 : i32
      %dma_start3A_548 = arith.constant 200 : i32
      %dma_start3A_549 = arith.constant 0 : i32
      %dma_start3A_550 = tpu.memref_slice %arg9[%dma_start3A_548, %dma_start3A_549] : memref<400x128xf32, #tpu.memory_space<vmem>> -> memref<100x128xf32, #tpu.memory_space<vmem>>
      %dma_start3A_551 = arith.constant 0 : i32
      %dma_start3A_552 = tpu.memref_slice %arg6[%dma_start3A_547, %dma_start3A_551] : memref<16x100xi32, #tpu.memory_space<vmem>> -> memref<1x100xi32, #tpu.memory_space<vmem>>
      %dma_start3A_553 = tpu.memref_squeeze %dma_start3A_552 : memref<1x100xi32, #tpu.memory_space<vmem>> -> memref<100xi32, #tpu.memory_space<vmem>>
      %dma_start3A_554 = arith.constant 0 : i32
      %dma_start3A_555 = arith.constant 0 : i32
      %dma_start3A_556 = tpu.memref_slice %arg7[%dma_start3A_554, %dma_start3A_555] : memref<367x128xf32, #tpu.memory_space<vmem_shared>> -> memref<367x128xf32, #tpu.memory_space<vmem_shared>>
      tpu.enqueue_indirect_dma source(%dma_start3A_556 : memref<367x128xf32, #tpu.memory_space<vmem_shared>>) target(%dma_start3A_550 : memref<100x128xf32, #tpu.memory_space<vmem>>) offsets(%dma_start3A_553 : memref<100xi32, #tpu.memory_space<vmem>>) semaphore(%arg11 : memref<!tpu.dma_semaphore, #tpu.memory_space<semaphore_mem>>)
      %dma_start3A_557 = arith.constant 15 : i32
      %dma_start3A_558 = arith.constant 300 : i32
      %dma_start3A_559 = arith.constant 0 : i32
      %dma_start3A_560 = tpu.memref_slice %arg9[%dma_start3A_558, %dma_start3A_559] : memref<400x128xf32, #tpu.memory_space<vmem>> -> memref<100x128xf32, #tpu.memory_space<vmem>>
      %dma_start3A_561 = arith.constant 0 : i32
      %dma_start3A_562 = tpu.memref_slice %arg6[%dma_start3A_557, %dma_start3A_561] : memref<16x100xi32, #tpu.memory_space<vmem>> -> memref<1x100xi32, #tpu.memory_space<vmem>>
      %dma_start3A_563 = tpu.memref_squeeze %dma_start3A_562 : memref<1x100xi32, #tpu.memory_space<vmem>> -> memref<100xi32, #tpu.memory_space<vmem>>
      %dma_start3A_564 = arith.constant 0 : i32
      %dma_start3A_565 = arith.constant 0 : i32
      %dma_start3A_566 = tpu.memref_slice %arg7[%dma_start3A_564, %dma_start3A_565] : memref<367x128xf32, #tpu.memory_space<vmem_shared>> -> memref<367x128xf32, #tpu.memory_space<vmem_shared>>
      tpu.enqueue_indirect_dma source(%dma_start3A_566 : memref<367x128xf32, #tpu.memory_space<vmem_shared>>) target(%dma_start3A_560 : memref<100x128xf32, #tpu.memory_space<vmem>>) offsets(%dma_start3A_563 : memref<100xi32, #tpu.memory_space<vmem>>) semaphore(%arg11 : memref<!tpu.dma_semaphore, #tpu.memory_space<semaphore_mem>>)
      %sub3A_567 = arith.constant 1 : i32
      %sub3A_568 = arith.subi %add3A_520, %sub3A_567 : i32
      %dma_wait3A_569 = arith.constant 0 : i32
      %dma_wait3A_570 = arith.constant 0 : i32
      %dma_wait3A_571 = tpu.memref_slice %arg4[%dma_wait3A_569, %dma_wait3A_570] : memref<3276800x128xf32, #tpu.memory_space<hbm>> -> memref<400x128xf32, #tpu.memory_space<hbm>>
      %dma_wait3A_572 = arith.constant 0 : i32
      %dma_wait3A_573 = arith.constant 0 : i32
      %dma_wait3A_574 = tpu.memref_slice %arg4[%dma_wait3A_572, %dma_wait3A_573] : memref<3276800x128xf32, #tpu.memory_space<hbm>> -> memref<400x128xf32, #tpu.memory_space<hbm>>
      tpu.wait_dma2 semaphore(%arg10 : memref<!tpu.dma_semaphore, #tpu.memory_space<semaphore_mem>>) src(%dma_wait3A_574 : memref<400x128xf32, #tpu.memory_space<hbm>>) dst(%arg8 : memref<400x128xf32, #tpu.memory_space<vmem>>)
      %mul3A_575 = arith.constant 400 : i32
      %mul3A_576 = arith.muli %sub3A_568, %mul3A_575 : i32
      %add3A_577 = arith.addi %mul3A_6, %mul3A_576 : i32
      %dma_start3A_578 = arith.constant 0 : i32
      %dma_start3A_579 = tpu.memref_slice %arg4[%add3A_577, %dma_start3A_578] : memref<3276800x128xf32, #tpu.memory_space<hbm>> -> memref<400x128xf32, #tpu.memory_space<hbm>>
      %dma_start3A_580 = arith.constant 0 : i32
      %dma_start3A_581 = tpu.memref_slice %arg4[%add3A_577, %dma_start3A_580] : memref<3276800x128xf32, #tpu.memory_space<hbm>> -> memref<400x128xf32, #tpu.memory_space<hbm>>
      tpu.enqueue_dma source(%arg8 : memref<400x128xf32, #tpu.memory_space<vmem>>) target(%dma_start3A_581 : memref<400x128xf32, #tpu.memory_space<hbm>>) target_semaphore(%arg12 : memref<!tpu.dma_semaphore, #tpu.memory_space<semaphore_mem>>)
    }
    %scan3A_17 = arith.constant 32 : i32
    %dma_wait3A = arith.constant 0 : i32
    %dma_wait3A_18 = arith.constant 0 : i32
    %dma_wait3A_19 = tpu.memref_slice %arg4[%dma_wait3A, %dma_wait3A_18] : memref<3276800x128xf32, #tpu.memory_space<hbm>> -> memref<400x128xf32, #tpu.memory_space<hbm>>
    %dma_wait3A_20 = arith.constant 0 : i32
    %dma_wait3A_21 = arith.constant 0 : i32
    %dma_wait3A_22 = tpu.memref_slice %arg4[%dma_wait3A_20, %dma_wait3A_21] : memref<3276800x128xf32, #tpu.memory_space<hbm>> -> memref<400x128xf32, #tpu.memory_space<hbm>>
    tpu.wait_dma2 semaphore(%arg11 : memref<!tpu.dma_semaphore, #tpu.memory_space<semaphore_mem>>) src(%dma_wait3A_22 : memref<400x128xf32, #tpu.memory_space<hbm>>) dst(%arg9 : memref<400x128xf32, #tpu.memory_space<vmem>>)
    %add3A_23 = arith.constant 102000 : i32
    %add3A_24 = arith.addi %mul3A_6, %add3A_23 : i32
    %dma_start3A_25 = arith.constant 0 : i32
    %dma_start3A_26 = tpu.memref_slice %arg4[%add3A_24, %dma_start3A_25] : memref<3276800x128xf32, #tpu.memory_space<hbm>> -> memref<400x128xf32, #tpu.memory_space<hbm>>
    %dma_start3A_27 = arith.constant 0 : i32
    %dma_start3A_28 = tpu.memref_slice %arg4[%add3A_24, %dma_start3A_27] : memref<3276800x128xf32, #tpu.memory_space<hbm>> -> memref<400x128xf32, #tpu.memory_space<hbm>>
    tpu.enqueue_dma source(%arg9 : memref<400x128xf32, #tpu.memory_space<vmem>>) target(%dma_start3A_28 : memref<400x128xf32, #tpu.memory_space<hbm>>) target_semaphore(%arg13 : memref<!tpu.dma_semaphore, #tpu.memory_space<semaphore_mem>>)
    %dma_wait3A_29 = arith.constant 0 : i32
    %dma_wait3A_30 = arith.constant 0 : i32
    %dma_wait3A_31 = tpu.memref_slice %arg2[%dma_wait3A_29, %dma_wait3A_30] : memref<32768x100xi32, #tpu.memory_space<hbm>> -> memref<16x100xi32, #tpu.memory_space<hbm>>
    %dma_wait3A_32 = arith.constant 0 : i32
    %dma_wait3A_33 = arith.constant 0 : i32
    %dma_wait3A_34 = tpu.memref_slice %arg2[%dma_wait3A_32, %dma_wait3A_33] : memref<32768x100xi32, #tpu.memory_space<hbm>> -> memref<16x100xi32, #tpu.memory_space<hbm>>
    tpu.wait_dma2 semaphore(%arg14 : memref<!tpu.dma_semaphore, #tpu.memory_space<semaphore_mem>>) src(%dma_wait3A_34 : memref<16x100xi32, #tpu.memory_space<hbm>>) dst(%arg5 : memref<16x100xi32, #tpu.memory_space<vmem>>)
    %dma_wait3A_35 = arith.constant 0 : i32
    %dma_wait3A_36 = arith.constant 0 : i32
    %dma_wait3A_37 = tpu.memref_slice %arg4[%dma_wait3A_35, %dma_wait3A_36] : memref<3276800x128xf32, #tpu.memory_space<hbm>> -> memref<400x128xf32, #tpu.memory_space<hbm>>
    %dma_wait3A_38 = arith.constant 0 : i32
    %dma_wait3A_39 = arith.constant 0 : i32
    %dma_wait3A_40 = tpu.memref_slice %arg4[%dma_wait3A_38, %dma_wait3A_39] : memref<3276800x128xf32, #tpu.memory_space<hbm>> -> memref<400x128xf32, #tpu.memory_space<hbm>>
    tpu.wait_dma2 semaphore(%arg12 : memref<!tpu.dma_semaphore, #tpu.memory_space<semaphore_mem>>) src(%dma_wait3A_40 : memref<400x128xf32, #tpu.memory_space<hbm>>) dst(%arg8 : memref<400x128xf32, #tpu.memory_space<vmem>>)
    %dma_wait3A_41 = arith.constant 0 : i32
    %dma_wait3A_42 = arith.constant 0 : i32
    %dma_wait3A_43 = tpu.memref_slice %arg4[%dma_wait3A_41, %dma_wait3A_42] : memref<3276800x128xf32, #tpu.memory_space<hbm>> -> memref<400x128xf32, #tpu.memory_space<hbm>>
    %dma_wait3A_44 = arith.constant 0 : i32
    %dma_wait3A_45 = arith.constant 0 : i32
    %dma_wait3A_46 = tpu.memref_slice %arg4[%dma_wait3A_44, %dma_wait3A_45] : memref<3276800x128xf32, #tpu.memory_space<hbm>> -> memref<400x128xf32, #tpu.memory_space<hbm>>
    tpu.wait_dma2 semaphore(%arg13 : memref<!tpu.dma_semaphore, #tpu.memory_space<semaphore_mem>>) src(%dma_wait3A_46 : memref<400x128xf32, #tpu.memory_space<hbm>>) dst(%arg9 : memref<400x128xf32, #tpu.memory_space<vmem>>)
    return
  }
}

</mosaic_0001>

<sc_bundles>
// kernel: kernel.3.cloned.1.call-start
scs
__scs_entry_jumppad:
0x0: {  	(pc) =	sbr.rel $0x88, $3  }
0x1: {  	(tag) =	ssettag $0x0;
	lr =	simm.s32 $0x1  }
0x2: {  	[smem:$0x3F9F] =	sst lr;
	_ =	strace $0xD0000000  }
0x3: {  	_ = 	snop  }
0x4: {  	_ = 	snop  }
0x5: {  	_ = 	snop  }
0x6: {  	_ = 	snop  }
0x7: {  	_ = 	snop  }
__scs_overlays_trampoline_lowered:
0x8: {  	[smem:$0x3FAE] =	sst s0  }
0x9: {  	[smem:$0x3FAF] =	sst s1  }
0xa: {  	[smem:$0x3FB0] =	sst s2  }
0xb: {  	[smem:$0x3FB1] =	sst s3  }
0xc: {  	[smem:$0x3FB2] =	sst s4  }
0xd: {  	[smem:$0x3FB3] =	sst s5  }
0xe: {  	[smem:$0x3FB4] =	sst s6  }
0xf: {  	[smem:$0x3FB5] =	sst s7  }
0x10: {  	[smem:$0x3FB6] =	sst s8  }
0x11: {  	[smem:$0x3FB7] =	sst s9;
	s0 =	simm.s32 @!p0 $0x0  }
0x12: {  	s1 =	sld [smem:$0x3F9D];
	s0 =	simm.s32 @p0 $0x1  }
0x13: {  	[smem:$0x3FB8] =	sst s0;
	s0 =	simm.s32 @!p1 $0x0  }
0x14: {  	s2 =	sld [smem:$0x3F9C];
	s0 =	simm.s32 @p1 $0x1  }
0x15: {  	[smem:$0x3FB9] =	sst s0;
	s0 =	simm.s32 @!p2 $0x0  }
0x16: {  	s3 =	sld [smem:$0x3FDB];
	s0 =	simm.s32 @p2 $0x1  }
0x17: {  	s4 =	simm.s32 $0x1BF5;
	[smem:$0x3FBB] =	sst s0  }
0x18: {  	s0 =	sld [smem:$0x3F9E];
	_ =	swait.ge [sflag:s4], $0x0  }
0x19: {  	s7 =	sld [smem:$0x3F9F]  }
0x1a: {  	s8 =	sadd.s32 $0xFFFFE003, lr  }
0x1b: {  	s9 =	sadd.s32 $0xFFFFFEF7, lr;
	s5 =	simm.s32 $0xFFFFFFFF;
	p2 =	slt.u32 s8, $0xFFFFF086  }
0x1c: {  	p1 =	slt.u32 s9, $0xF7A;
	s5 =	simm.s32 @!p2 $0x0  }
0x1d: {  	s5 =	simm.s32 @p1 $0x1;
	p0 =	seq.s32 s7, s2  }
0x1e: {  	s7 =	smul.u32 @!p0 $0xF7A, s2;
	p2 =	seq.s32 @!p0 s5, $0x0  }
0x1f: {  	s9 =	smul.u32 $0xF7A, s1;
	s8 =	simm.s32 @!p0 $0x1BF5;
	p2 =	por !p2, p0  }
0x20: {  	[sflag:s8] =	ssyncset.s32 @!p0 $0xFFFFF086;
	s6 =	sadd.s32 @!p0 s3, s7;
	s7 =	simm.s32 @!p0 $0x108  }
0x21: {  	s3 =	sadd.s32 s3, s9;
	s6 =	sadd.s32 @!p0 $0x88, s6;
	s7 =	simm.s32 @p2 $0x1082  }
0x22: {  	[simem:s7], [sflag:s8] =	dma.local @!p0 [hbm:s6], $0xF7A  }
0x23: {  	s9 =	sor.u32 $0xD0000000, s2;
	s6 =	simm.s32 $0x108;
	_ =	swait.ge @!p0 [sflag:s8], $0x0  }
0x24: {  	s3 =	sadd.s32 $0x88, s3;
	s6 =	simm.s32 @!p1 $0x1082;
	[sflag:s4] =	ssyncset.s32 $0xFFFFF086  }
0x25: {  	[simem:s6], [sflag:s4] =	dma.local [hbm:s3], $0xF7A  }
0x26: {  	[smem:$0x3F9F] =	sst s1;
	(tag) =	ssettag s2;
	_ =	strace s9  }
0x27: {  	s1 =	sld [smem:$0x3FAF]  }
0x28: {  	s2 =	sld [smem:$0x3FB0]  }
0x29: {  	s4 =	sld [smem:$0x3FB2]  }
0x2a: {  	p0 =	seq.s32 s5, $0x0;
	s5 =	sld [smem:$0x3FB3]  }
0x2b: {  	s6 =	sld [smem:$0x3FB4]  }
0x2c: {  	s7 =	sld [smem:$0x3FB5]  }
0x2d: {  	s3 =	simm.s32 $0x108;
	s8 =	sld [smem:$0x3FB6]  }
0x2e: {  	s3 =	simm.s32 @!p0 $0x1082;
	s9 =	sld [smem:$0x3FB7]  }
0x2f: {  	lr =	sadd.s32 s0, s3;
	s0 =	sld [smem:$0x3FAE]  }
0x30: {  	s3 =	sld [smem:$0x3FB1]  }
0x31: {  	[smem:$0x3FBA] =	sst s10  }
0x32: {  	s10 =	sld [smem:$0x3FB8];
	_ =	sdelay $0x3  }
0x33: {  	p0 =	seq.s32 s10, $0x1;
	s10 =	sld [smem:$0x3FBA];
	_ =	sdelay $0x3  }
0x34: {  	[smem:$0x3FBA] =	sst s10  }
0x35: {  	s10 =	sld [smem:$0x3FB9];
	_ =	sdelay $0x3  }
0x36: {  	p1 =	seq.s32 s10, $0x1;
	s10 =	sld [smem:$0x3FBA];
	_ =	sdelay $0x3  }
0x37: {  	[smem:$0x3FBA] =	sst s10  }
0x38: {  	s10 =	sld [smem:$0x3FBB]  }
0x39: {  	_ = 	snop;
	(pc) =	sbr.ind lr, $3  }
0x3a: {  	_ = 	snop  }
0x3b: {  	_ = 	snop  }
0x3c: {  	p2 =	seq.s32 s10, $0x1;
	s10 =	sld [smem:$0x3FBA]  }
0x3d: {  	_ =	shalt  }
0x3e: {  	_ =	shalt  }
0x3f: {  	_ =	shalt  }
0x40: {  	_ =	shalt  }
0x41: {  	_ =	shalt  }
0x42: {  	_ =	shalt  }
0x43: {  	_ =	shalt  }
0x44: {  	_ =	shalt  }
0x45: {  	_ =	shalt  }
0x46: {  	_ =	shalt  }
0x47: {  	_ =	shalt  }
0x48: {  	_ =	shalt  }
0x49: {  	_ =	shalt  }
0x4a: {  	_ =	shalt  }
0x4b: {  	_ =	shalt  }
0x4c: {  	_ =	shalt  }
0x4d: {  	_ =	shalt  }
0x4e: {  	_ =	shalt  }
0x4f: {  	_ =	shalt  }
0x50: {  	_ =	shalt  }
0x51: {  	_ =	shalt  }
0x52: {  	_ =	shalt  }
0x53: {  	_ =	shalt  }
0x54: {  	_ =	shalt  }
0x55: {  	_ =	shalt  }
0x56: {  	_ =	shalt  }
0x57: {  	_ =	shalt  }
0x58: {  	_ =	shalt  }
0x59: {  	_ =	shalt  }
0x5a: {  	_ =	shalt  }
0x5b: {  	_ =	shalt  }
0x5c: {  	_ =	shalt  }
0x5d: {  	_ =	shalt  }
0x5e: {  	_ =	shalt  }
0x5f: {  	_ =	shalt  }
0x60: {  	_ =	shalt  }
0x61: {  	_ =	shalt  }
0x62: {  	_ =	shalt  }
0x63: {  	_ =	shalt  }
0x64: {  	_ =	shalt  }
0x65: {  	_ =	shalt  }
0x66: {  	_ =	shalt  }
0x67: {  	_ =	shalt  }
0x68: {  	_ =	shalt  }
0x69: {  	_ =	shalt  }
0x6a: {  	_ =	shalt  }
0x6b: {  	_ =	shalt  }
0x6c: {  	_ =	shalt  }
0x6d: {  	_ =	shalt  }
0x6e: {  	_ =	shalt  }
0x6f: {  	_ =	shalt  }
0x70: {  	_ =	shalt  }
0x71: {  	_ =	shalt  }
0x72: {  	_ =	shalt  }
0x73: {  	_ =	shalt  }
0x74: {  	_ =	shalt  }
0x75: {  	_ =	shalt  }
0x76: {  	_ =	shalt  }
0x77: {  	_ =	shalt  }
0x78: {  	_ =	shalt  }
0x79: {  	_ =	shalt  }
0x7a: {  	_ =	shalt  }
0x7b: {  	_ =	shalt  }
0x7c: {  	_ =	shalt  }
0x7d: {  	_ =	shalt  }
0x7e: {  	_ =	shalt  }
0x7f: {  	_ =	shalt  }
0x80: {  	_ =	shalt  }
0x81: {  	_ =	shalt  }
0x82: {  	_ =	shalt  }
0x83: {  	_ =	shalt  }
0x84: {  	_ =	shalt  }
0x85: {  	_ =	shalt  }
0x86: {  	_ =	shalt  }
0x87: {  	_ =	shalt  }
.Lfunc_end0:
.L_simem_size_0:
called_computation_lowered:
.L_overlay_start_0:
0x88: {  	s2 =	sld [smem:$0x3FD9]  }
0x89: {  	s3 =	sld [smem:$0x3FFE];
	_ =	sdelay $0x1  }
0x8a: {  	s1 =	srdreg.scid  }
0x8b: {  	s0 =	sand.u32 $0x1, s1  }
0x8c: {  	s17 =	sshll.u32 s0, $0xA;
	s2 =	sadd.s32 s3, s2  }
0x8d: {  	s2 =	sadd.s32 s2, s17  }
0x8e: {  	[smem:$0x3FC6] =	sst s2  }
0x8f: {  	_ = 	snop  }
0x90: {  	s2 =	sld [smem:$0x3FC8]  }
0x91: {  	s18 =	sld [smem:$0x3FD0];
	(tm) =	ssettm $0x1  }
0x92: {  	s4 =	sld [smem:$0x3FFB];
	_ =	sdelay $0x3  }
0x93: {  	_ =	strace s4  }
0x94: {  	s4 =	sld [smem:$0x3FFC];
	_ =	sdelay $0x3  }
0x95: {  	_ =	strace s4  }
0x96: {  	s4 =	sld [smem:$0x3FFD];
	_ =	sdelay $0x3  }
0x97: {  	_ =	strace s4  }
0x98: {  	_ =	strace $0x8FFFFFFF  }
0x99: {  	s19 =	sld [smem:$0x3FDB];
	_ =	sdelay $0x1  }
0x9a: {  	s5 =	simm.s32 $_scs_section_size  }
0x9b: {  	s6 =	simm.s32 $_size__tile_overlayer_lowered;
	s7 =	simm.s32 $_tile_overlayer_lowered  }
0x9c: {  	s22 =	simm.s32 $0x1BFF;
	s21 =	sshll.u32 s7, $0x1;
	s4 =	sadd.s32 s5, s19  }
0x9d: {  	s8 =	simm.s32 $0x0;
	s20 =	sshll.u32 s6, $0x1;
	s6 =	sadd.s32 s21, s4  }
0x9e: {  	[timem:s8], [sflag:s22] =	dma.local [hbm:s6], s20  }
0x9f: {  	_ =	swait.ge [sflag:s22], s20  }
0xa0: {  	s5 =	ssub.s32 $0x0, s20;
	[sflag:s22] =	ssyncset.done $0x0  }
0xa1: {  	[sflag:s22] =	ssyncadd.s32 s5;
	_ =	sdelay $0x1  }
0xa2: {  	s23 =	simm.s32 $0x1B8B  }
0xa3: {  	_ =	swait.ge [sflag:s23], $0x1  }
0xa4: {  	[sflag:s23] =	ssyncset.done $0x0  }
0xa5: {  	s25 =	simm.s32 $0x1B8E;
	s24 =	sld [smem:$0x3FFE];
	[sflag:s23] =	ssyncadd.s32 $0xFFFFFFFF  }
0xa6: {  	s26 =	simm.s32 $execute0_lowered;
	[smem:$0x3FD2] =	sst s25  }
0xa7: {  	s6 =	sshll.u32 s26, $0x1;
	_ =	strace $0x80000046;
	[dreg:$0x1] =	wrdreg $0xFFFFFFFF  }
0xa8: {  	s28 =	simm.s32 $_size_execute0_lowered;
	s4 =	sadd.s32 s4, s6;
	[dreg:$0x0] =	wrdreg $0x0  }
0xa9: {  	s6 =	sshll.u32 s28, $0x1;
	[dreg:$0x2] =	wrdreg s4  }
0xaa: {  	[dreg:$0x3] =	wrdreg s6  }
0xab: {  	[dreg:$0x4] =	wrdreg $0xC0  }
0xac: {  	_ =	task [dreg:s8], $0x5FFFF  }
0xad: {  	[dreg:$0x1] =	wrdreg $0xFFFFFFFF  }
0xae: {  	[dreg:$0x0] =	wrdreg $0x60  }
0xaf: {  	[dreg:$0x2] =	wrdreg s24  }
0xb0: {  	[dreg:$0x3] =	wrdreg s2  }
0xb1: {  	[dreg:$0x4] =	wrdreg s18  }
0xb2: {  	[dreg:$0x5] =	wrdreg $0x10000  }
0xb3: {  	[dreg:$0x6] =	wrdreg $0x9  }
0xb4: {  	_ =	task.clear_ibuf [dreg:s8], $0x7FFFF;
	_ =	strace $0x90000046  }
0xb5: {  	s29 =	simm.s32 $0x9;
	_ =	strace $0x80000048  }
0xb6: {  	_ =	swait.ge [sflag:s29], $0x1  }
0xb7: {  	[sflag:s29] =	ssyncadd.s32 $0xFFFFFFFF  }
0xb8: {  	_ =	strace $0x90000048  }
0xb9: {  	_ =	sfence  }
0xba: {  	s30 =	sld [smem:$0x0];
	_ =	sdelay $0x2  }
0xbb: {  	s31 =	sshll.u32 s1, $0xD;
	s1 =	sshrl.u32 s1, $0x2  }
0xbc: {  	s3 =	sand.u32 $0x4000, s31;
	s1 =	sadd.s32 s1, s30  }
0xbd: {  	s0 =	sor.u32 s3, s0;
	s1 =	sshll.u32 s1, $0x11  }
0xbe: {  	s0 =	sor.u32 s1, s0  }
0xbf: {  	s0 =	sadd.s32 $0x8F2B, s0  }
0xc0: {  	[sflag:s0] =	ssyncadd.remote.s32 $0x1  }
0xc1: {  	_ =	sfence.sel $0xFFFF  }
0xc2: {  	[dreg:$0x0] =	wrdreg $0xFFFFFFFF;
	(pc) =	sbr.abs _section_cstart, $3  }
0xc3: {  	[dreg:$0x1] =	wrdreg $0xFFFFFFFF  }
0xc4: {  	_ =	task.clear_ibuf [dreg:s8], $0x2FFFF;
	_ =	strace $0x9FFFFFFF  }
0xc5: {  	(tm) =	ssettm $0x7FFFFFFF  }
tec
execute0_lowered:
.L_overlay_start_1:
0x0: {  	(tag) =	ssettag $0x1  }
0x1: {  	s0 =	rddreg [dreg:$0x0]  }
0x2: {  	s1 =	rddreg [dreg:$0x2];
	s3 =	srdreg.scid  }
0x3: {  	s5 =	stileid.u32;
	s2 =	rddreg [dreg:$0x3];
	s21 =	simm.s32 $0x200  }
0x4: {  	s22 =	simm.s32 $0x280;
	s9 =	sand.u32 $0x1, s3;
	s3 =	simm.s32 $0x0  }
0x5: {  	s23 =	simm.s32 $0x300;
	s24 =	simm.s32 $0x380;
	[smem:$0x7FF] =	sst s3  }
0x6: {  	s26 =	simm.s32 $0x400;
	_ =	strace $0x80000047;
	[dreg:$0x5] =	wrdreg s21  }
0x7: {  	s30 =	simm.s32 $0x480;
	s31 =	simm.s32 $0x500;
	[dreg:$0x6] =	wrdreg s22  }
0x8: {  	s11 =	simm.s32 $0x680;
	s12 =	simm.s32 $0x700;
	[dreg:$0x7] =	wrdreg s23  }
0x9: {  	s13 =	simm.s32 $0x780;
	s15 =	simm.s32 $0x880;
	[dreg:$0x8] =	wrdreg s24  }
0xa: {  	s16 =	simm.s32 $0x900;
	s17 =	simm.s32 $0x980;
	[dreg:$0x9] =	wrdreg s26  }
0xb: {  	s28 =	simm.s32 $0x6;
	s4 =	sshll.u32 s5, $0x1;
	[dreg:$0xa] =	wrdreg s30  }
0xc: {  	s20 =	smul.u32 $0x320000, s5;
	s25 =	sshll.u32 s5, $0xB;
	[dreg:$0xb] =	wrdreg s31  }
0xd: {  	p0 =	sne.s32 s5, $0x0;
	s6 =	sor.u32 s9, s4;
	[dreg:$0xe] =	wrdreg s11  }
0xe: {  	s4 =	sadd.s32 $0x400, s0;
	s18 =	ssub.s32 $0x2, s9;
	[dreg:$0xf] =	wrdreg s12  }
0xf: {  	s10 =	smul.u32 $0x190000, s9;
	s29 =	sshll.u32 s9, $0xA;
	[dreg:$0x10] =	wrdreg s13  }
0x10: {  	s9 =	sshll.u32 s9, $0xE;
	s7 =	smul.u32 $0xC80000, s6;
	[dreg:$0x11] =	wrdreg s15  }
0x11: {  	s8 =	sshrl.u32 s18, $0x1;
	s6 =	sshll.u32 s6, $0xE;
	[dreg:$0x12] =	wrdreg s16  }
0x12: {  	s12 =	simm.s32 $0x5;
	[dreg:$0x13] =	wrdreg s17;
	s13 =	simm.s32 $0x800  }
0x13: {  	s15 =	simm.s32 $0xE378;
	s21 =	simm.s32 $0xB80;
	s16 =	simm.s32 $0x11578  }
0x14: {  	s22 =	simm.s32 $0xC00;
	s17 =	simm.s32 $0x14778;
	[dreg:$0x17] =	wrdreg s21  }
0x15: {  	s23 =	simm.s32 $0xC80;
	s24 =	simm.s32 $0xD00;
	[dreg:$0x18] =	wrdreg s22  }
0x16: {  	s26 =	simm.s32 $0xE00;
	s30 =	simm.s32 $0xF00;
	[dreg:$0x19] =	wrdreg s23  }
0x17: {  	s31 =	simm.s32 $0xF80;
	s0 =	ssub.s32 s18, s8;
	[dreg:$0x1a] =	wrdreg s24  }
0x18: {  	s6 =	sadd.s32 s4, s6;
	s18 =	simm.s32 $0xA00;
	[dreg:$0x1c] =	wrdreg s26  }
0x19: {  	s21 =	simm.s32 $0x3;
	s22 =	simm.s32 $0x4D78;
	[dreg:$0x1e] =	wrdreg s30  }
0x1a: {  	s23 =	simm.s32 $0x7F78;
	s24 =	simm.s32 $0xB178;
	[dreg:$0x1f] =	wrdreg s31  }
0x1b: {  	s26 =	simm.s32 $0x4;
	s7 =	sshrl.u32 s7, $0x3;
	[smem:$0x7F8] =	sst s6  }
0x1c: {  	s0 =	smax.u32 s0, $0x1;
	[dreg:$0x14] =	wrdreg s18;
	s7 =	sadd.s32 s1, s7  }
0x1d: {  	[smem:$0x7FA] =	sst s0;
	s0 =	sadd.s32 s20, s1;
	s20 =	simm.s32 $0xB00  }
0x1e: {  	s1 =	sor.u32 s29, s25;
	s25 =	simm.s32 $0xD80;
	[dreg:$0x16] =	wrdreg s20  }
0x1f: {  	s6 =	sshll.u32 s5, $0xF;
	s29 =	simm.s32 $0xE80;
	[dreg:$0x1b] =	wrdreg s25  }
0x20: {  	s18 =	simm.s32 $0x17978;
	s19 =	sadd.s32 $0x18E700, s7;
	[dreg:$0x1d] =	wrdreg s29  }
0x21: {  	s8 =	sadd.s32 s10, s0;
	s1 =	sor.u32 $0x20, s1;
	[smem:$0x7F9] =	sst s19  }
0x22: {  	s7 =	simm.s32 $0x600;
	s10 =	sadd.s32 s6, s4;
	[smem:$0x7FB] =	sst s1  }
0x23: {  	s20 =	simm.s32 $0x1B78;
	s1 =	simm.s32 $0x580;
	[dreg:$0xd] =	wrdreg s7  }
0x24: {  	s9 =	sadd.s32 s9, s10;
	s19 =	simm.s32 $0xA80;
	[dreg:$0xc] =	wrdreg s1  }
0x25: {  	s25 =	simm.s32 $0x2;
	s14 =	sadd.s32 $0x100, s9;
	[dreg:$0x15] =	wrdreg s19  }
0x26: {  	s1 =	sshrl.u32 @!p0 s2, $0x3;
	s19 =	simm.s32 $0x1;
	[smem:$0x7FC] =	sst s14  }
0x27: {  	[smem:$0x7FD] =	sst s1;
	s14 =	simm.s32 $0x64;
	s1 =	simm.s32 $0x0  }
.LBB2_1:
0x28: {  	s5 =	sld [smem:$0x7FD]  }
0x29: {  	[smem:$0x7F7] =	sst s1  }
0x2a: {  	s0 =	simm.s32 @!p0 $0x1C07;
	s1 =	rddreg [dreg:$0x1]  }
0x2b: {  	[spmem:s5], [sflag:s0] =	dma.local @!p0 [hbm:s1], $0x16F0  }
0x2c: {  	s0 =	simm.s32 @!p0 $0x7  }
0x2d: {  	_ =	swait.ge @!p0 [sflag:s0], $0x16F0  }
0x2e: {  	[sflag:s0] =	ssyncset.done @!p0 $0x0  }
0x2f: {  	[sflag:s0] =	ssyncadd.s32 @!p0 $0xFFFFE910  }
0x30: {  	[bflag:$0x0] =	sbarrier.arrive $0xFFFF  }
0x31: {  	s29 =	sld [smem:$0x7F8];
	_ =	sdelay $0x2  }
0x32: {  	[tilespmem:s3], [sflag:$0x5] =	stream.linear.gather [hbm4b:s29+s3], $0x800, $0x38;
	[tilespmem:$0x1AB78] =	vst v63  }
0x33: {  	p1 =	por $0x1, $0x1;
	_ =	swait.ge [sflag:s12], $0x800  }
0x34: {  	s9 =	simm.s32 @p1 $0x1B78;
	[sflag:s12] =	ssyncset.done $0x0  }
0x35: {  	s5 =	simm.s32 @p1 $0x0;
	s0 =	simm.s32 @p1 $0x64;
	[sflag:s12] =	ssyncadd.s32 $0xFFFFF800  }
0x36: {  	[tilespmem:s9], [sflag:$0x1] =	stream.indirect.gather @p1 [spmem:s2], $0x80, s5, s0, $0xb8;
	[tilespmem:$0x1AB78] =	vst v63  }
0x37: {  	s5 =	simm.s32 @p1 $0x80;
	s9 =	simm.s32 @p1 $0x4D78  }
0x38: {  	[tilespmem:s9], [sflag:$0x1] =	stream.indirect.gather @p1 [spmem:s2], $0x80, s5, s0, $0xb8;
	[tilespmem:$0x1AB78] =	vst v63  }
0x39: {  	s5 =	simm.s32 @p1 $0x100;
	s9 =	simm.s32 @p1 $0x7F78  }
0x3a: {  	[tilespmem:s9], [sflag:$0x1] =	stream.indirect.gather @p1 [spmem:s2], $0x80, s5, s0, $0xb8;
	[tilespmem:$0x1AB78] =	vst v63  }
0x3b: {  	s30 =	simm.s32 @!p1 $0x3;
	s5 =	simm.s32 @p1 $0x180;
	s9 =	simm.s32 @p1 $0xB178  }
0x3c: {  	[tilespmem:s9], [sflag:$0x1] =	stream.indirect.gather @p1 [spmem:s2], $0x80, s5, s0, $0xb8;
	[tilespmem:$0x1AB78] =	vst v63  }
0x3d: {  	_ =	swait.ge @!p1 [sflag:s30], $0xC800  }
0x3e: {  	s0 =	simm.s32 @!p1 $0x1B78;
	[sflag:s30] =	ssyncset.done @!p1 $0x0  }
0x3f: {  	s5 =	simm.s32 @!p1 $0x64;
	s9 =	simm.s32 @!p1 $0x0;
	[sflag:s30] =	ssyncadd.s32 @!p1 $0xFFFF3800  }
0x40: {  	[tilespmem:s0], [sflag:$0x1] =	stream.indirect.gather @!p1 [spmem:s2], $0x80, s9, s5, $0xb8;
	[tilespmem:$0x1AB78] =	vst v63  }
0x41: {  	s30 =	simm.s32 @!p1 $0x4D78;
	s0 =	simm.s32 @!p1 $0x80  }
0x42: {  	[tilespmem:s30], [sflag:$0x1] =	stream.indirect.gather @!p1 [spmem:s2], $0x80, s0, s5, $0xb8;
	[tilespmem:$0x1AB78] =	vst v63  }
0x43: {  	s0 =	simm.s32 @!p1 $0x100;
	s30 =	simm.s32 @!p1 $0x7F78  }
0x44: {  	[tilespmem:s30], [sflag:$0x1] =	stream.indirect.gather @!p1 [spmem:s2], $0x80, s0, s5, $0xb8;
	[tilespmem:$0x1AB78] =	vst v63  }
0x45: {  	s0 =	simm.s32 @!p1 $0x180;
	s30 =	simm.s32 @!p1 $0xB178  }
0x46: {  	[tilespmem:s30], [sflag:$0x1] =	stream.indirect.gather @!p1 [spmem:s2], $0x80, s0, s5, $0xb8;
	[tilespmem:$0x1AB78] =	vst v63  }
0x47: {  	s0 =	simm.s32 @!p1 $0x2  }
0x48: {  	_ =	swait.ge @!p1 [sflag:s0], $0xC800  }
0x49: {  	s5 =	sadd.s32 @!p1 $0x0, s8;
	s30 =	simm.s32 @!p1 $0xE378;
	[sflag:s0] =	ssyncset.done @!p1 $0x0  }
0x4a: {  	s5 =	sadd.s32 @!p1 $0xFFFFE700, s5;
	s6 =	sld [smem:$0x7FC];
	[sflag:s0] =	ssyncadd.s32 @!p1 $0xFFFF3800  }
0x4b: {  	[hbm4b:s5+s9] =	stream.linear.scatter @!p1 [tilespmem:s30], [sflag:$0x4], $0xC800, $0x38;
	[tilespmem:$0x1AB78] =	vst v63  }
0x4c: {  	s0 =	simm.s32 @!p1 $0x4  }
0x4d: {  	[tilespmem:s13], [sflag:$0x6] =	stream.linear.gather [hbm4b:s6+s3], $0x800, $0x38;
	[tilespmem:$0x1AB78] =	vst v63  }
0x4e: {  	_ =	swait.ge @!p1 [sflag:s0], $0xC800  }
0x4f: {  	[sflag:s0] =	ssyncset.done @!p1 $0x0  }
0x50: {  	s1 =	rddreg [dreg:$0x5];
	[sflag:s0] =	ssyncadd.s32 @!p1 $0xFFFF3800  }
0x51: {  	[tilespmem:s15], [sflag:$0x2] =	stream.indirect.gather [spmem:s2], $0x80, s1, s14, $0xb8;
	[tilespmem:$0x1AB78] =	vst v63  }
0x52: {  	s7 =	rddreg [dreg:$0x6]  }
0x53: {  	[tilespmem:s16], [sflag:$0x2] =	stream.indirect.gather [spmem:s2], $0x80, s7, s14, $0xb8;
	[tilespmem:$0x1AB78] =	vst v63  }
0x54: {  	s9 =	rddreg [dreg:$0x7]  }
0x55: {  	[tilespmem:s17], [sflag:$0x2] =	stream.indirect.gather [spmem:s2], $0x80, s9, s14, $0xb8;
	[tilespmem:$0x1AB78] =	vst v63  }
0x56: {  	s10 =	rddreg [dreg:$0x8]  }
0x57: {  	[tilespmem:s18], [sflag:$0x2] =	stream.indirect.gather [spmem:s2], $0x80, s10, s14, $0xb8;
	[tilespmem:$0x1AB78] =	vst v63  }
0x58: {  	_ =	swait.ge [sflag:s19], $0xC800  }
0x59: {  	[sflag:s19] =	ssyncset.done $0x0  }
0x5a: {  	s0 =	sadd.s32 $0x0, s8;
	[sflag:s19] =	ssyncadd.s32 $0xFFFF3800  }
0x5b: {  	[hbm4b:s0+s3] =	stream.linear.scatter [tilespmem:s20], [sflag:$0x3], $0xC800, $0x38;
	[tilespmem:$0x1AB78] =	vst v63  }
0x5c: {  	_ =	swait.ge [sflag:s21], $0xC800  }
0x5d: {  	[sflag:s21] =	ssyncset.done $0x0  }
0x5e: {  	s11 =	rddreg [dreg:$0x9];
	[sflag:s21] =	ssyncadd.s32 $0xFFFF3800  }
0x5f: {  	[tilespmem:s20], [sflag:$0x1] =	stream.indirect.gather [spmem:s2], $0x80, s11, s14, $0xb8;
	[tilespmem:$0x1AB78] =	vst v63  }
0x60: {  	s29 =	rddreg [dreg:$0xa]  }
0x61: {  	[tilespmem:s22], [sflag:$0x1] =	stream.indirect.gather [spmem:s2], $0x80, s29, s14, $0xb8;
	[tilespmem:$0x1AB78] =	vst v63  }
0x62: {  	s1 =	rddreg [dreg:$0xb]  }
0x63: {  	[tilespmem:s23], [sflag:$0x1] =	stream.indirect.gather [spmem:s2], $0x80, s1, s14, $0xb8;
	[tilespmem:$0x1AB78] =	vst v63  }
0x64: {  	s7 =	rddreg [dreg:$0xc]  }
0x65: {  	[tilespmem:s24], [sflag:$0x1] =	stream.indirect.gather [spmem:s2], $0x80, s7, s14, $0xb8;
	[tilespmem:$0x1AB78] =	vst v63  }
0x66: {  	_ =	swait.ge [sflag:s25], $0xC800  }
0x67: {  	[sflag:s25] =	ssyncset.done $0x0  }
0x68: {  	s10 =	sadd.s32 $0x1900, s0;
	[sflag:s25] =	ssyncadd.s32 $0xFFFF3800  }
0x69: {  	[hbm4b:s10+s3] =	stream.linear.scatter [tilespmem:s15], [sflag:$0x4], $0xC800, $0x38;
	[tilespmem:$0x1AB78] =	vst v63  }
0x6a: {  	_ =	swait.ge [sflag:s26], $0xC800  }
0x6b: {  	[sflag:s26] =	ssyncset.done $0x0  }
0x6c: {  	s11 =	rddreg [dreg:$0xd];
	[sflag:s26] =	ssyncadd.s32 $0xFFFF3800  }
0x6d: {  	[tilespmem:s15], [sflag:$0x2] =	stream.indirect.gather [spmem:s2], $0x80, s11, s14, $0xb8;
	[tilespmem:$0x1AB78] =	vst v63  }
0x6e: {  	s29 =	rddreg [dreg:$0xe]  }
0x6f: {  	[tilespmem:s16], [sflag:$0x2] =	stream.indirect.gather [spmem:s2], $0x80, s29, s14, $0xb8;
	[tilespmem:$0x1AB78] =	vst v63  }
0x70: {  	s1 =	rddreg [dreg:$0xf]  }
0x71: {  	[tilespmem:s17], [sflag:$0x2] =	stream.indirect.gather [spmem:s2], $0x80, s1, s14, $0xb8;
	[tilespmem:$0x1AB78] =	vst v63  }
0x72: {  	s7 =	rddreg [dreg:$0x10]  }
0x73: {  	[tilespmem:s18], [sflag:$0x2] =	stream.indirect.gather [spmem:s2], $0x80, s7, s14, $0xb8;
	[tilespmem:$0x1AB78] =	vst v63  }
0x74: {  	_ =	swait.ge [sflag:s19], $0xC800  }
0x75: {  	[sflag:s19] =	ssyncset.done $0x0  }
0x76: {  	s10 =	sadd.s32 $0x3200, s0;
	[sflag:s19] =	ssyncadd.s32 $0xFFFF3800  }
0x77: {  	[hbm4b:s10+s3] =	stream.linear.scatter [tilespmem:s20], [sflag:$0x3], $0xC800, $0x38;
	[tilespmem:$0x1AB78] =	vst v63  }
0x78: {  	_ =	swait.ge [sflag:s28], $0x800  }
0x79: {  	[sflag:s28] =	ssyncset.done $0x0  }
0x7a: {  	[sflag:s28] =	ssyncadd.s32 $0xFFFFF800  }
0x7b: {  	_ =	swait.ge [sflag:s21], $0xC800  }
0x7c: {  	[sflag:s21] =	ssyncset.done $0x0  }
0x7d: {  	[sflag:s21] =	ssyncadd.s32 $0xFFFF3800  }
0x7e: {  	[tilespmem:s20], [sflag:$0x1] =	stream.indirect.gather [spmem:s2], $0x80, s13, s14, $0xb8;
	[tilespmem:$0x1AB78] =	vst v63  }
0x7f: {  	s11 =	rddreg [dreg:$0x11]  }
0x80: {  	[tilespmem:s22], [sflag:$0x1] =	stream.indirect.gather [spmem:s2], $0x80, s11, s14, $0xb8;
	[tilespmem:$0x1AB78] =	vst v63  }
0x81: {  	s29 =	rddreg [dreg:$0x12]  }
0x82: {  	[tilespmem:s23], [sflag:$0x1] =	stream.indirect.gather [spmem:s2], $0x80, s29, s14, $0xb8;
	[tilespmem:$0x1AB78] =	vst v63  }
0x83: {  	s1 =	rddreg [dreg:$0x13]  }
0x84: {  	[tilespmem:s24], [sflag:$0x1] =	stream.indirect.gather [spmem:s2], $0x80, s1, s14, $0xb8;
	[tilespmem:$0x1AB78] =	vst v63  }
0x85: {  	_ =	swait.ge [sflag:s25], $0xC800  }
0x86: {  	s1 =	sld [smem:$0x7FB];
	[sflag:s25] =	ssyncset.done $0x0  }
0x87: {  	s7 =	sadd.s32 $0x4B00, s0;
	[sflag:s25] =	ssyncadd.s32 $0xFFFF3800  }
0x88: {  	[hbm4b:s7+s3] =	stream.linear.scatter [tilespmem:s15], [sflag:$0x4], $0xC800, $0x38;
	[tilespmem:$0x1AB78] =	vst v63  }
0x89: {  	p1 =	slt.s32 s1, $0x7FF0;
	s5 =	smov.u32 s1  }
0x8a: {  	s5 =	simm.s32 @!p1 $0x7FF0  }
0x8b: {  	s5 =	sshll.u32 s5, $0x4  }
0x8c: {  	s5 =	sadd.s32 s4, s5  }
0x8d: {  	[tilespmem:s3], [sflag:$0x5] =	stream.linear.gather [hbm4b:s5+s3], $0x800, $0x38;
	[tilespmem:$0x1AB78] =	vst v63  }
0x8e: {  	_ =	swait.ge [sflag:s26], $0xC800  }
0x8f: {  	[sflag:s26] =	ssyncset.done $0x0  }
0x90: {  	s9 =	rddreg [dreg:$0x14];
	[sflag:s26] =	ssyncadd.s32 $0xFFFF3800  }
0x91: {  	[tilespmem:s15], [sflag:$0x2] =	stream.indirect.gather [spmem:s2], $0x80, s9, s14, $0xb8;
	[tilespmem:$0x1AB78] =	vst v63  }
0x92: {  	s10 =	rddreg [dreg:$0x15]  }
0x93: {  	[tilespmem:s16], [sflag:$0x2] =	stream.indirect.gather [spmem:s2], $0x80, s10, s14, $0xb8;
	[tilespmem:$0x1AB78] =	vst v63  }
0x94: {  	s11 =	rddreg [dreg:$0x16]  }
0x95: {  	[tilespmem:s17], [sflag:$0x2] =	stream.indirect.gather [spmem:s2], $0x80, s11, s14, $0xb8;
	[tilespmem:$0x1AB78] =	vst v63  }
0x96: {  	s29 =	rddreg [dreg:$0x17]  }
0x97: {  	[tilespmem:s18], [sflag:$0x2] =	stream.indirect.gather [spmem:s2], $0x80, s29, s14, $0xb8;
	[tilespmem:$0x1AB78] =	vst v63  }
0x98: {  	_ =	swait.ge [sflag:s19], $0xC800  }
0x99: {  	[sflag:s19] =	ssyncset.done $0x0  }
0x9a: {  	s7 =	sadd.s32 $0x6400, s0;
	[sflag:s19] =	ssyncadd.s32 $0xFFFF3800  }
0x9b: {  	[hbm4b:s7+s3] =	stream.linear.scatter [tilespmem:s20], [sflag:$0x3], $0xC800, $0x38;
	[tilespmem:$0x1AB78] =	vst v63  }
0x9c: {  	_ =	swait.ge [sflag:s21], $0xC800  }
0x9d: {  	[sflag:s21] =	ssyncset.done $0x0  }
0x9e: {  	s9 =	rddreg [dreg:$0x18];
	[sflag:s21] =	ssyncadd.s32 $0xFFFF3800  }
0x9f: {  	[tilespmem:s20], [sflag:$0x1] =	stream.indirect.gather [spmem:s2], $0x80, s9, s14, $0xb8;
	[tilespmem:$0x1AB78] =	vst v63  }
0xa0: {  	s10 =	rddreg [dreg:$0x19]  }
0xa1: {  	[tilespmem:s22], [sflag:$0x1] =	stream.indirect.gather [spmem:s2], $0x80, s10, s14, $0xb8;
	[tilespmem:$0x1AB78] =	vst v63  }
0xa2: {  	s11 =	rddreg [dreg:$0x1a]  }
0xa3: {  	[tilespmem:s23], [sflag:$0x1] =	stream.indirect.gather [spmem:s2], $0x80, s11, s14, $0xb8;
	[tilespmem:$0x1AB78] =	vst v63  }
0xa4: {  	s29 =	rddreg [dreg:$0x1b]  }
0xa5: {  	[tilespmem:s24], [sflag:$0x1] =	stream.indirect.gather [spmem:s2], $0x80, s29, s14, $0xb8;
	[tilespmem:$0x1AB78] =	vst v63  }
0xa6: {  	_ =	swait.ge [sflag:s25], $0xC800  }
0xa7: {  	[sflag:s25] =	ssyncset.done $0x0  }
0xa8: {  	s7 =	sadd.s32 $0x7D00, s0;
	[sflag:s25] =	ssyncadd.s32 $0xFFFF3800  }
0xa9: {  	[hbm4b:s7+s3] =	stream.linear.scatter [tilespmem:s15], [sflag:$0x4], $0xC800, $0x38;
	[tilespmem:$0x1AB78] =	vst v63  }
0xaa: {  	_ =	swait.ge [sflag:s26], $0xC800  }
0xab: {  	[sflag:s26] =	ssyncset.done $0x0  }
0xac: {  	s9 =	rddreg [dreg:$0x1c];
	[sflag:s26] =	ssyncadd.s32 $0xFFFF3800  }
0xad: {  	[tilespmem:s15], [sflag:$0x2] =	stream.indirect.gather [spmem:s2], $0x80, s9, s14, $0xb8;
	[tilespmem:$0x1AB78] =	vst v63  }
0xae: {  	s10 =	rddreg [dreg:$0x1d]  }
0xaf: {  	[tilespmem:s16], [sflag:$0x2] =	stream.indirect.gather [spmem:s2], $0x80, s10, s14, $0xb8;
	[tilespmem:$0x1AB78] =	vst v63  }
0xb0: {  	s11 =	rddreg [dreg:$0x1e]  }
0xb1: {  	[tilespmem:s17], [sflag:$0x2] =	stream.indirect.gather [spmem:s2], $0x80, s11, s14, $0xb8;
	[tilespmem:$0x1AB78] =	vst v63  }
0xb2: {  	s29 =	rddreg [dreg:$0x1f]  }
0xb3: {  	[tilespmem:s18], [sflag:$0x2] =	stream.indirect.gather [spmem:s2], $0x80, s29, s14, $0xb8;
	[tilespmem:$0x1AB78] =	vst v63  }
0xb4: {  	s30 =	simm.s32 $0xC800;
	s31 =	sadd.s32 $0x200, s6;
	_ =	swait.ge [sflag:s19], $0xC800  }
0xb5: {  	s5 =	sadd.s32 $0x9600, s0;
	s9 =	smov.u32 s1;
	[sflag:s19] =	ssyncset.done $0x0  }
.LBB2_2:
0xb6: {  	[sflag:s19] =	ssyncadd.s32 $0xFFFF3800;
	s0 =	smov.u32 s30  }
0xb7: {  	[hbm4b:s5+s3] =	stream.linear.scatter [tilespmem:s20], [sflag:$0x3], $0xC800, $0x38;
	[tilespmem:$0x1AB78] =	vst v63  }
0xb8: {  	p2 =	seq.s32 s0, $0x0;
	_ =	swait.ge [sflag:s12], $0x800  }
0xb9: {  	s5 =	simm.s32 @p2 $0x64;
	[sflag:s12] =	ssyncset.done $0x0  }
0xba: {  	s6 =	simm.s32 @p2 $0x0;
	s7 =	simm.s32 @p2 $0x1B78;
	[sflag:s12] =	ssyncadd.s32 $0xFFFFF800  }
0xbb: {  	[tilespmem:s7], [sflag:$0x1] =	stream.indirect.gather @p2 [spmem:s2], $0x80, s6, s5, $0xb8;
	[tilespmem:$0x1AB78] =	vst v63  }
0xbc: {  	s11 =	simm.s32 @p2 $0x80;
	s10 =	simm.s32 @p2 $0x4D78  }
0xbd: {  	[tilespmem:s10], [sflag:$0x1] =	stream.indirect.gather @p2 [spmem:s2], $0x80, s11, s5, $0xb8;
	[tilespmem:$0x1AB78] =	vst v63  }
0xbe: {  	s6 =	simm.s32 @p2 $0x100;
	s7 =	simm.s32 @p2 $0x7F78  }
0xbf: {  	[tilespmem:s7], [sflag:$0x1] =	stream.indirect.gather @p2 [spmem:s2], $0x80, s6, s5, $0xb8;
	[tilespmem:$0x1AB78] =	vst v63  }
0xc0: {  	s10 =	simm.s32 @p2 $0x180;
	s11 =	simm.s32 @p2 $0xB178;
	s6 =	simm.s32 @!p2 $0x3  }
0xc1: {  	[tilespmem:s11], [sflag:$0x1] =	stream.indirect.gather @p2 [spmem:s2], $0x80, s10, s5, $0xb8;
	[tilespmem:$0x1AB78] =	vst v63  }
0xc2: {  	_ =	swait.ge @!p2 [sflag:s6], $0xC800  }
0xc3: {  	s7 =	simm.s32 @!p2 $0x64;
	[sflag:s6] =	ssyncset.done @!p2 $0x0  }
0xc4: {  	s5 =	simm.s32 @!p2 $0x1B78;
	s10 =	simm.s32 @!p2 $0x0;
	[sflag:s6] =	ssyncadd.s32 @!p2 $0xFFFF3800  }
0xc5: {  	[tilespmem:s5], [sflag:$0x1] =	stream.indirect.gather @!p2 [spmem:s2], $0x80, s10, s7, $0xb8;
	[tilespmem:$0x1AB78] =	vst v63  }
0xc6: {  	s11 =	simm.s32 @!p2 $0x4D78;
	s6 =	simm.s32 @!p2 $0x80  }
0xc7: {  	[tilespmem:s11], [sflag:$0x1] =	stream.indirect.gather @!p2 [spmem:s2], $0x80, s6, s7, $0xb8;
	[tilespmem:$0x1AB78] =	vst v63  }
0xc8: {  	s29 =	simm.s32 @!p2 $0x7F78;
	s5 =	simm.s32 @!p2 $0x100  }
0xc9: {  	[tilespmem:s29], [sflag:$0x1] =	stream.indirect.gather @!p2 [spmem:s2], $0x80, s5, s7, $0xb8;
	[tilespmem:$0x1AB78] =	vst v63  }
0xca: {  	s6 =	simm.s32 @!p2 $0x180;
	s11 =	simm.s32 @!p2 $0xB178;
	s5 =	simm.s32 @!p2 $0x2  }
0xcb: {  	[tilespmem:s11], [sflag:$0x1] =	stream.indirect.gather @!p2 [spmem:s2], $0x80, s6, s7, $0xb8;
	[tilespmem:$0x1AB78] =	vst v63  }
0xcc: {  	_ =	swait.ge @!p2 [sflag:s5], $0xC800  }
0xcd: {  	s1 =	sadd.s32 @!p2 s0, s8;
	[sflag:s5] =	ssyncset.done @!p2 $0x0  }
0xce: {  	s1 =	sadd.s32 @!p2 $0xFFFFE700, s1;
	s6 =	simm.s32 @!p2 $0xE378;
	[sflag:s5] =	ssyncadd.s32 @!p2 $0xFFFF3800  }
0xcf: {  	[hbm4b:s1+s10] =	stream.linear.scatter @!p2 [tilespmem:s6], [sflag:$0x4], $0xC800, $0x38;
	[tilespmem:$0x1AB78] =	vst v63  }
0xd0: {  	s1 =	simm.s32 @!p2 $0x4  }
0xd1: {  	[tilespmem:s13], [sflag:$0x6] =	stream.linear.gather [hbm4b:s31+s3], $0x800, $0x38;
	[tilespmem:$0x1AB78] =	vst v63  }
0xd2: {  	_ =	swait.ge @!p2 [sflag:s1], $0xC800  }
0xd3: {  	[sflag:s1] =	ssyncset.done @!p2 $0x0  }
0xd4: {  	s7 =	rddreg [dreg:$0x5];
	[sflag:s1] =	ssyncadd.s32 @!p2 $0xFFFF3800  }
0xd5: {  	[tilespmem:s15], [sflag:$0x2] =	stream.indirect.gather [spmem:s2], $0x80, s7, s14, $0xb8;
	[tilespmem:$0x1AB78] =	vst v63  }
0xd6: {  	s10 =	rddreg [dreg:$0x6]  }
0xd7: {  	[tilespmem:s16], [sflag:$0x2] =	stream.indirect.gather [spmem:s2], $0x80, s10, s14, $0xb8;
	[tilespmem:$0x1AB78] =	vst v63  }
0xd8: {  	s11 =	rddreg [dreg:$0x7]  }
0xd9: {  	[tilespmem:s17], [sflag:$0x2] =	stream.indirect.gather [spmem:s2], $0x80, s11, s14, $0xb8;
	[tilespmem:$0x1AB78] =	vst v63  }
0xda: {  	s29 =	rddreg [dreg:$0x8]  }
0xdb: {  	[tilespmem:s18], [sflag:$0x2] =	stream.indirect.gather [spmem:s2], $0x80, s29, s14, $0xb8;
	[tilespmem:$0x1AB78] =	vst v63  }
0xdc: {  	_ =	swait.ge [sflag:s19], $0xC800  }
0xdd: {  	[sflag:s19] =	ssyncset.done $0x0  }
0xde: {  	s0 =	sadd.s32 s0, s8;
	[sflag:s19] =	ssyncadd.s32 $0xFFFF3800  }
0xdf: {  	[hbm4b:s0+s3] =	stream.linear.scatter [tilespmem:s20], [sflag:$0x3], $0xC800, $0x38;
	[tilespmem:$0x1AB78] =	vst v63  }
0xe0: {  	_ =	swait.ge [sflag:s21], $0xC800  }
0xe1: {  	[sflag:s21] =	ssyncset.done $0x0  }
0xe2: {  	s7 =	rddreg [dreg:$0x9];
	[sflag:s21] =	ssyncadd.s32 $0xFFFF3800  }
0xe3: {  	[tilespmem:s20], [sflag:$0x1] =	stream.indirect.gather [spmem:s2], $0x80, s7, s14, $0xb8;
	[tilespmem:$0x1AB78] =	vst v63  }
0xe4: {  	s10 =	rddreg [dreg:$0xa]  }
0xe5: {  	[tilespmem:s22], [sflag:$0x1] =	stream.indirect.gather [spmem:s2], $0x80, s10, s14, $0xb8;
	[tilespmem:$0x1AB78] =	vst v63  }
0xe6: {  	s11 =	rddreg [dreg:$0xb]  }
0xe7: {  	[tilespmem:s23], [sflag:$0x1] =	stream.indirect.gather [spmem:s2], $0x80, s11, s14, $0xb8;
	[tilespmem:$0x1AB78] =	vst v63  }
0xe8: {  	s29 =	rddreg [dreg:$0xc]  }
0xe9: {  	[tilespmem:s24], [sflag:$0x1] =	stream.indirect.gather [spmem:s2], $0x80, s29, s14, $0xb8;
	[tilespmem:$0x1AB78] =	vst v63  }
0xea: {  	_ =	swait.ge [sflag:s25], $0xC800  }
0xeb: {  	[sflag:s25] =	ssyncset.done $0x0  }
0xec: {  	s6 =	sadd.s32 $0x1900, s0;
	[sflag:s25] =	ssyncadd.s32 $0xFFFF3800  }
0xed: {  	[hbm4b:s6+s3] =	stream.linear.scatter [tilespmem:s15], [sflag:$0x4], $0xC800, $0x38;
	[tilespmem:$0x1AB78] =	vst v63  }
0xee: {  	_ =	swait.ge [sflag:s26], $0xC800  }
0xef: {  	[sflag:s26] =	ssyncset.done $0x0  }
0xf0: {  	s7 =	rddreg [dreg:$0xd];
	[sflag:s26] =	ssyncadd.s32 $0xFFFF3800  }
0xf1: {  	[tilespmem:s15], [sflag:$0x2] =	stream.indirect.gather [spmem:s2], $0x80, s7, s14, $0xb8;
	[tilespmem:$0x1AB78] =	vst v63  }
0xf2: {  	s10 =	rddreg [dreg:$0xe]  }
0xf3: {  	[tilespmem:s16], [sflag:$0x2] =	stream.indirect.gather [spmem:s2], $0x80, s10, s14, $0xb8;
	[tilespmem:$0x1AB78] =	vst v63  }
0xf4: {  	s11 =	rddreg [dreg:$0xf]  }
0xf5: {  	[tilespmem:s17], [sflag:$0x2] =	stream.indirect.gather [spmem:s2], $0x80, s11, s14, $0xb8;
	[tilespmem:$0x1AB78] =	vst v63  }
0xf6: {  	s29 =	rddreg [dreg:$0x10]  }
0xf7: {  	[tilespmem:s18], [sflag:$0x2] =	stream.indirect.gather [spmem:s2], $0x80, s29, s14, $0xb8;
	[tilespmem:$0x1AB78] =	vst v63  }
0xf8: {  	_ =	swait.ge [sflag:s19], $0xC800  }
0xf9: {  	[sflag:s19] =	ssyncset.done $0x0  }
0xfa: {  	s6 =	sadd.s32 $0x3200, s0;
	[sflag:s19] =	ssyncadd.s32 $0xFFFF3800  }
0xfb: {  	[hbm4b:s6+s3] =	stream.linear.scatter [tilespmem:s20], [sflag:$0x3], $0xC800, $0x38;
	[tilespmem:$0x1AB78] =	vst v63  }
0xfc: {  	_ =	swait.ge [sflag:s28], $0x800  }
0xfd: {  	[sflag:s28] =	ssyncset.done $0x0  }
0xfe: {  	[sflag:s28] =	ssyncadd.s32 $0xFFFFF800  }
0xff: {  	_ =	swait.ge [sflag:s21], $0xC800  }
0x100: {  	[sflag:s21] =	ssyncset.done $0x0  }
0x101: {  	[sflag:s21] =	ssyncadd.s32 $0xFFFF3800  }
0x102: {  	[tilespmem:s20], [sflag:$0x1] =	stream.indirect.gather [spmem:s2], $0x80, s13, s14, $0xb8;
	[tilespmem:$0x1AB78] =	vst v63  }
0x103: {  	s7 =	rddreg [dreg:$0x11]  }
0x104: {  	[tilespmem:s22], [sflag:$0x1] =	stream.indirect.gather [spmem:s2], $0x80, s7, s14, $0xb8;
	[tilespmem:$0x1AB78] =	vst v63  }
0x105: {  	s10 =	rddreg [dreg:$0x12]  }
0x106: {  	[tilespmem:s23], [sflag:$0x1] =	stream.indirect.gather [spmem:s2], $0x80, s10, s14, $0xb8;
	[tilespmem:$0x1AB78] =	vst v63  }
0x107: {  	s9 =	sadd.s32 $0x20, s9;
	s11 =	rddreg [dreg:$0x13]  }
0x108: {  	[tilespmem:s24], [sflag:$0x1] =	stream.indirect.gather [spmem:s2], $0x80, s11, s14, $0xb8;
	[tilespmem:$0x1AB78] =	vst v63  }
0x109: {  	s5 =	smov.u32 s9;
	p2 =	slt.s32 s9, $0x7FF0;
	_ =	swait.ge [sflag:s25], $0xC800  }
0x10a: {  	s5 =	simm.s32 @!p2 $0x7FF0;
	[sflag:s25] =	ssyncset.done $0x0  }
0x10b: {  	s5 =	sshll.u32 s5, $0x4;
	s29 =	sadd.s32 $0x4B00, s0;
	[sflag:s25] =	ssyncadd.s32 $0xFFFF3800  }
0x10c: {  	[hbm4b:s29+s3] =	stream.linear.scatter [tilespmem:s15], [sflag:$0x4], $0xC800, $0x38;
	[tilespmem:$0x1AB78] =	vst v63  }
0x10d: {  	s6 =	sadd.s32 s4, s5  }
0x10e: {  	[tilespmem:s3], [sflag:$0x5] =	stream.linear.gather [hbm4b:s6+s3], $0x800, $0x38;
	[tilespmem:$0x1AB78] =	vst v63  }
0x10f: {  	_ =	swait.ge [sflag:s26], $0xC800  }
0x110: {  	[sflag:s26] =	ssyncset.done $0x0  }
0x111: {  	s7 =	rddreg [dreg:$0x14];
	[sflag:s26] =	ssyncadd.s32 $0xFFFF3800  }
0x112: {  	[tilespmem:s15], [sflag:$0x2] =	stream.indirect.gather [spmem:s2], $0x80, s7, s14, $0xb8;
	[tilespmem:$0x1AB78] =	vst v63  }
0x113: {  	s10 =	rddreg [dreg:$0x15]  }
0x114: {  	[tilespmem:s16], [sflag:$0x2] =	stream.indirect.gather [spmem:s2], $0x80, s10, s14, $0xb8;
	[tilespmem:$0x1AB78] =	vst v63  }
0x115: {  	s11 =	rddreg [dreg:$0x16]  }
0x116: {  	[tilespmem:s17], [sflag:$0x2] =	stream.indirect.gather [spmem:s2], $0x80, s11, s14, $0xb8;
	[tilespmem:$0x1AB78] =	vst v63  }
0x117: {  	s29 =	rddreg [dreg:$0x17]  }
0x118: {  	[tilespmem:s18], [sflag:$0x2] =	stream.indirect.gather [spmem:s2], $0x80, s29, s14, $0xb8;
	[tilespmem:$0x1AB78] =	vst v63  }
0x119: {  	_ =	swait.ge [sflag:s19], $0xC800  }
0x11a: {  	[sflag:s19] =	ssyncset.done $0x0  }
0x11b: {  	s6 =	sadd.s32 $0x6400, s0;
	[sflag:s19] =	ssyncadd.s32 $0xFFFF3800  }
0x11c: {  	[hbm4b:s6+s3] =	stream.linear.scatter [tilespmem:s20], [sflag:$0x3], $0xC800, $0x38;
	[tilespmem:$0x1AB78] =	vst v63  }
0x11d: {  	_ =	swait.ge [sflag:s21], $0xC800  }
0x11e: {  	[sflag:s21] =	ssyncset.done $0x0  }
0x11f: {  	s7 =	rddreg [dreg:$0x18];
	[sflag:s21] =	ssyncadd.s32 $0xFFFF3800  }
0x120: {  	[tilespmem:s20], [sflag:$0x1] =	stream.indirect.gather [spmem:s2], $0x80, s7, s14, $0xb8;
	[tilespmem:$0x1AB78] =	vst v63  }
0x121: {  	s10 =	rddreg [dreg:$0x19]  }
0x122: {  	[tilespmem:s22], [sflag:$0x1] =	stream.indirect.gather [spmem:s2], $0x80, s10, s14, $0xb8;
	[tilespmem:$0x1AB78] =	vst v63  }
0x123: {  	s11 =	rddreg [dreg:$0x1a]  }
0x124: {  	[tilespmem:s23], [sflag:$0x1] =	stream.indirect.gather [spmem:s2], $0x80, s11, s14, $0xb8;
	[tilespmem:$0x1AB78] =	vst v63  }
0x125: {  	s29 =	rddreg [dreg:$0x1b]  }
0x126: {  	[tilespmem:s24], [sflag:$0x1] =	stream.indirect.gather [spmem:s2], $0x80, s29, s14, $0xb8;
	[tilespmem:$0x1AB78] =	vst v63  }
0x127: {  	_ =	swait.ge [sflag:s25], $0xC800  }
0x128: {  	[sflag:s25] =	ssyncset.done $0x0  }
0x129: {  	s6 =	sadd.s32 $0x7D00, s0;
	[sflag:s25] =	ssyncadd.s32 $0xFFFF3800  }
0x12a: {  	[hbm4b:s6+s3] =	stream.linear.scatter [tilespmem:s15], [sflag:$0x4], $0xC800, $0x38;
	[tilespmem:$0x1AB78] =	vst v63  }
0x12b: {  	_ =	swait.ge [sflag:s26], $0xC800  }
0x12c: {  	[sflag:s26] =	ssyncset.done $0x0  }
0x12d: {  	s7 =	rddreg [dreg:$0x1c];
	[sflag:s26] =	ssyncadd.s32 $0xFFFF3800  }
0x12e: {  	[tilespmem:s15], [sflag:$0x2] =	stream.indirect.gather [spmem:s2], $0x80, s7, s14, $0xb8;
	[tilespmem:$0x1AB78] =	vst v63  }
0x12f: {  	s30 =	sadd.s32 $0xC800, s30;
	s10 =	rddreg [dreg:$0x1d]  }
0x130: {  	[tilespmem:s16], [sflag:$0x2] =	stream.indirect.gather [spmem:s2], $0x80, s10, s14, $0xb8;
	[tilespmem:$0x1AB78] =	vst v63  }
0x131: {  	p1 =	sne.s32 s30, $0x190000;
	s11 =	rddreg [dreg:$0x1e]  }
0x132: {  	[tilespmem:s17], [sflag:$0x2] =	stream.indirect.gather [spmem:s2], $0x80, s11, s14, $0xb8;
	[tilespmem:$0x1AB78] =	vst v63  }
.Ltmp0:
0x133: {  	_ = 	snop;
	(pc) =	sbr.rel @p1 .LBB2_2-.Ltmp0, $4  }
0x134: {  	s29 =	rddreg [dreg:$0x1f]  }
0x135: {  	[tilespmem:s18], [sflag:$0x2] =	stream.indirect.gather [spmem:s2], $0x80, s29, s14, $0xb8;
	[tilespmem:$0x1AB78] =	vst v63  }
0x136: {  	_ =	swait.ge [sflag:s19], $0xC800  }
0x137: {  	s31 =	sadd.s32 $0x200, s31;
	s5 =	sadd.s32 $0x9600, s0;
	[sflag:s19] =	ssyncset.done $0x0  }
0x138: {  	[sflag:s19] =	ssyncadd.s32 $0xFFFF3800  }
0x139: {  	[hbm4b:s5+s3] =	stream.linear.scatter [tilespmem:s20], [sflag:$0x3], $0xC800, $0x38;
	[tilespmem:$0x1AB78] =	vst v63  }
0x13a: {  	_ =	swait.ge [sflag:s25], $0xC800  }
0x13b: {  	s0 =	sld [smem:$0x7F9]  }
0x13c: {  	[sflag:s25] =	ssyncset.done $0x0  }
0x13d: {  	[sflag:s25] =	ssyncadd.s32 $0xFFFF3800  }
0x13e: {  	[hbm4b:s0+s3] =	stream.linear.scatter [tilespmem:s15], [sflag:$0x4], $0xC800, $0x38;
	[tilespmem:$0x1AB78] =	vst v63  }
0x13f: {  	_ =	swait.ge [sflag:s12], $0x800  }
0x140: {  	[sflag:s12] =	ssyncset.done $0x0  }
0x141: {  	[sflag:s12] =	ssyncadd.s32 $0xFFFFF800  }
0x142: {  	_ =	swait.ge [sflag:s21], $0xC800  }
0x143: {  	[sflag:s21] =	ssyncset.done $0x0  }
0x144: {  	[sflag:s21] =	ssyncadd.s32 $0xFFFF3800  }
0x145: {  	_ =	swait.ge [sflag:s26], $0xC800  }
0x146: {  	s1 =	sld [smem:$0x7F7]  }
0x147: {  	s31 =	sld [smem:$0x7FA];
	_ =	sdelay $0x1  }
0x148: {  	s1 =	sadd.s32 $0x1, s1  }
0x149: {  	p1 =	sne.s32 s1, s31  }
.Ltmp1:
0x14a: {  	_ = 	snop;
	(pc) =	sbr.rel @p1 .LBB2_1-.Ltmp1, $3  }
0x14b: {  	_ =	sdelay $0x1  }
0x14c: {  	[sflag:s26] =	ssyncset.done $0x0  }
0x14d: {  	[sflag:s26] =	ssyncadd.s32 $0xFFFF3800  }
0x14e: {  	_ =	sfence.sel $0x180000  }
0x14f: {  	[bflag:$0x0] =	sbarrier.arrive $0xFFFF  }
0x150: {  	_ =	strace $0x90000047  }
0x151: {  	[bflag:$0x2] =	sbarrier.arrive $0xFFFF  }
0x152: {  	s0 =	rddreg [dreg:$0x4]  }
0x153: {  	s0 =	sadd.s32 @!p0 $0x100000, s0  }
0x154: {  	[sflag:s0] =	ssyncadd.tile.s32 @!p0 $0x1;
	_ =	shalt  }
.Lfunc_end2:
_tile_overlayer_lowered:
.L_overlay_start_2:
0x155: {  	(tag) =	ssettag $0x2  }
0x156: {  	s0 =	rddreg [dreg:$0x0];
	s2 =	stileid.u32  }
0x157: {  	s1 =	rddreg [dreg:$0x1];
	p0 =	sne.s32 s2, $0x0  }
0x158: {  	s3 =	rddreg [dreg:$0x2];
	[bflag:$0x3] =	sbarrier.arrive $0xFFFF;
	s2 =	simm.s32 @!p0 $0x1C07  }
0x159: {  	[timem:s3], [sflag:s2] =	dma.local @!p0 [hbm:s0], s1  }
0x15a: {  	s0 =	simm.s32 @!p0 $0x7  }
0x15b: {  	_ =	swait.ge @!p0 [sflag:s0], s1  }
0x15c: {  	s1 =	ssub.s32 @!p0 $0x0, s1;
	[sflag:s0] =	ssyncset.done @!p0 $0x0  }
0x15d: {  	[sflag:s0] =	ssyncadd.s32 @!p0 s1  }
0x15e: {  	[bflag:$0x3] =	sbarrier.arrive $0xFFFF  }
0x15f: {  	_ =	shalt  }

</sc_bundles>
